<compile_context>
chip_gen: v7x
topology: tpu7x:2x2x1
jax: 0.10.2.dev20260603
libtpu: 0.0.44.dev20260713+nightly
codegen_flags: <defaults>
</compile_context>

<pallas_src>
import functools

import jax
import jax.numpy as jnp
from jax import lax
from jax.experimental import pallas as pl
from jax.experimental.pallas import tpu as pltpu
from jax.experimental.pallas import tpu_sc as plsc

HIDDEN = 64
WIDE = 128
IDX_MINOR = 128
G = 2
CHUNK = IDX_MINOR * G
NWORKERS = 32
NIDX = 4


@jax.jit
def _sc_gather(ids_flat, table_wide):
    n_total = ids_flat.shape[0]
    b_per_w = n_total // NWORKERS
    n_chunks = b_per_w // CHUNK

    mesh = plsc.VectorSubcoreMesh(core_axis_name="c", subcore_axis_name="s")

    @functools.partial(
        pl.kernel,
        mesh=mesh,
        out_type=jax.ShapeDtypeStruct((n_total, WIDE), jnp.float32),
        scratch_types=(
            [pltpu.VMEM((CHUNK,), jnp.int32) for _ in range(NIDX)]
            + [pltpu.VMEM((CHUNK, WIDE), jnp.float32) for _ in range(2)]
            + [pltpu.SemaphoreType.DMA for _ in range(NIDX + 4)]
        ),
        compiler_params=pltpu.CompilerParams(use_tc_tiling_on_sc=True),
    )
    def k(ids_hbm, table_hbm, out_hbm,
          idx0, idx1, idx2, idx3, rows0, rows1,
          si0, si1, si2, si3, sg0, sg1, sw0, sw1):
        wid = lax.axis_index("s") * 2 + lax.axis_index("c")
        idx_v = (idx0, idx1, idx2, idx3)
        sem_i = (si0, si1, si2, si3)
        rows_v = (rows0, rows1)
        sem_g = (sg0, sg1)
        sem_w = (sw0, sw1)
        tok0 = wid * b_per_w

        def idx_start(c, q):
            pltpu.async_copy(ids_hbm.at[pl.ds(tok0 + c * CHUNK, CHUNK)],
                             idx_v[q], sem_i[q])

        def idx_wait(q):
            pltpu.make_async_copy(ids_hbm.at[pl.ds(0, CHUNK)],
                                  idx_v[q], sem_i[q]).wait()

        def fire_gathers(q, b):
            for j in range(G):
                pltpu.async_copy(
                    table_hbm.at[idx_v[q].at[pl.ds(j * IDX_MINOR, IDX_MINOR)]],
                    rows_v[b].at[pl.ds(j * IDX_MINOR, IDX_MINOR)],
                    sem_g[b],
                )

        def gather_drain(b):
            pltpu.make_async_copy(
                out_hbm.at[pl.ds(0, CHUNK)], rows_v[b], sem_g[b]).wait()

        def write_start(c, b):
            pltpu.async_copy(
                rows_v[b],
                out_hbm.at[pl.ds(tok0 + c * CHUNK, CHUNK)],
                sem_w[b])

        def write_drain(b):
            pltpu.make_async_copy(
                out_hbm.at[pl.ds(0, CHUNK)], rows_v[b], sem_w[b]).wait()

        for q in range(NIDX):
            idx_start(q, q)
        idx_wait(0)
        fire_gathers(0, 0)
        idx_wait(1)
        fire_gathers(1, 1)
        gather_drain(0)
        write_start(0, 0)
        idx_start(4, 0)
        write_drain(0)
        idx_wait(2)
        fire_gathers(2, 0)
        gather_drain(1)
        write_start(1, 1)
        idx_start(5, 1)
        write_drain(1)
        idx_wait(3)
        fire_gathers(3, 1)
        gather_drain(0)
        write_start(2, 0)
        idx_start(6, 2)

        def body(i, carry):
            for b in range(NIDX):
                c = NIDX * i + 4 + b
                rb = b % 2
                write_drain(rb)
                idx_wait(b)
                fire_gathers(b, rb)
                gather_drain(1 - rb)

                @pl.when(c + 3 < n_chunks)
                def _():
                    idx_start(c + 3, (b + 3) % NIDX)

                write_start(c - 1, 1 - rb)
            return carry

        lax.fori_loop(0, (n_chunks - 4) // NIDX, body, 0)

        last_b = (n_chunks - 1) % 2
        gather_drain(last_b)
        write_start(n_chunks - 1, last_b)
        write_drain(1 - last_b)
        write_drain(last_b)

    return k(ids_flat, table_wide)


def kernel(input_ids, token_embedding):
    batch, seq = input_ids.shape
    ids_flat = input_ids.reshape(batch * seq).astype(jnp.int32)
    table_wide = jnp.pad(token_embedding, ((0, 0), (0, WIDE - HIDDEN)))
    rows = _sc_gather(ids_flat, table_wide)
    return rows[:, :HIDDEN].reshape(batch, seq, HIDDEN)

# --- scband reference (transcript-rebuilt; emitter-appended) ---
"""Pipeline reference for scband-clvpembeddings-70420283785344 (READ-ONLY COPY).

The authoritative reference and input builder live on the scoring server;
editing this copy changes nothing except your own understanding.
"""

import jax, jax.numpy as jnp
import numpy as np

VOCAB = 1000000
HIDDEN = 64
BATCH = 4096
SEQ = 200

def setup_inputs(seed: int = 0) -> dict:
    key = jax.random.key(seed)
    k_idx, k_tab = jax.random.split(key)
    input_ids = jax.random.randint(k_idx, (BATCH, SEQ), 0, VOCAB, dtype=jnp.int64 if jax.config.jax_enable_x64 else jnp.int32)
    token_embedding = jax.random.normal(k_tab, (VOCAB, HIDDEN), dtype=jnp.float32) * 0.02
    return {"input_ids": input_ids, "token_embedding": token_embedding}

def reference(input_ids, token_embedding):
    # CLVPEmbeddings.forward with inputs_embeds=None: pure embedding lookup
    inputs_embeds = jnp.take(token_embedding, input_ids, axis=0)
    return inputs_embeds

if __name__ == "__main__":
    import jax
    _d = setup_inputs()
    print(jax.jit(kernel)(*tuple(_d.values())))

</pallas_src>

<mosaic_0001>
#map = affine_map<(d0, d1) -> (0)>
#map1 = affine_map<(d0, d1) -> (0, 0)>
module attributes {stable_mosaic.version = 14 : i64} {
  func.func @k(%arg0: i32, %arg1: i32, %arg2: memref<819200xi32, #tpu.memory_space<hbm>>, %arg3: memref<1000000x128xf32, #tpu.memory_space<hbm>>, %arg4: memref<819200x128xf32, #tpu.memory_space<hbm>>, %arg5: memref<256xi32, #tpu.memory_space<vmem>>, %arg6: memref<256xi32, #tpu.memory_space<vmem>>, %arg7: memref<256xi32, #tpu.memory_space<vmem>>, %arg8: memref<256xi32, #tpu.memory_space<vmem>>, %arg9: memref<256x128xf32, #tpu.memory_space<vmem>>, %arg10: memref<256x128xf32, #tpu.memory_space<vmem>>, %arg11: memref<!tpu.dma_semaphore, #tpu.memory_space<semaphore_mem>>, %arg12: memref<!tpu.dma_semaphore, #tpu.memory_space<semaphore_mem>>, %arg13: memref<!tpu.dma_semaphore, #tpu.memory_space<semaphore_mem>>, %arg14: memref<!tpu.dma_semaphore, #tpu.memory_space<semaphore_mem>>, %arg15: memref<!tpu.dma_semaphore, #tpu.memory_space<semaphore_mem>>, %arg16: memref<!tpu.dma_semaphore, #tpu.memory_space<semaphore_mem>>, %arg17: memref<!tpu.dma_semaphore, #tpu.memory_space<semaphore_mem>>, %arg18: memref<!tpu.dma_semaphore, #tpu.memory_space<semaphore_mem>>) attributes {dimension_semantics = [#tpu.dimension_semantics<core_parallel>, #tpu.dimension_semantics<subcore_parallel>], iteration_bounds = array<i64: 2, 16>, scalar_prefetch = 0 : i64, scratch_operands = 14 : i64, tpu.core_type = #tpu.core_type<sc_vector_subcore>, window_params = [{transform_indices = #map}, {transform_indices = #map1}, {transform_indices = #map1}]} {
    %mul3A = arith.constant 2 : i32
    %mul3A_0 = arith.muli %arg1, %mul3A : i32
    %add3A = arith.addi %mul3A_0, %arg0 : i32
    %mul3A_1 = arith.constant 25600 : i32
    %mul3A_2 = arith.muli %add3A, %mul3A_1 : i32
    %add3A_3 = arith.constant 0 : i32
    %add3A_4 = arith.addi %mul3A_2, %add3A_3 : i32
    %dma_start3A = tpu.memref_slice %arg2[%add3A_4] : memref<819200xi32, #tpu.memory_space<hbm>> -> memref<256xi32, #tpu.memory_space<hbm>>
    %dma_start3A_5 = tpu.memref_slice %arg2[%add3A_4] : memref<819200xi32, #tpu.memory_space<hbm>> -> memref<256xi32, #tpu.memory_space<hbm>>
    tpu.enqueue_dma source(%dma_start3A_5 : memref<256xi32, #tpu.memory_space<hbm>>) target(%arg5 : memref<256xi32, #tpu.memory_space<vmem>>) target_semaphore(%arg11 : memref<!tpu.dma_semaphore, #tpu.memory_space<semaphore_mem>>)
    %add3A_6 = arith.constant 256 : i32
    %add3A_7 = arith.addi %mul3A_2, %add3A_6 : i32
    %dma_start3A_8 = tpu.memref_slice %arg2[%add3A_7] : memref<819200xi32, #tpu.memory_space<hbm>> -> memref<256xi32, #tpu.memory_space<hbm>>
    %dma_start3A_9 = tpu.memref_slice %arg2[%add3A_7] : memref<819200xi32, #tpu.memory_space<hbm>> -> memref<256xi32, #tpu.memory_space<hbm>>
    tpu.enqueue_dma source(%dma_start3A_9 : memref<256xi32, #tpu.memory_space<hbm>>) target(%arg6 : memref<256xi32, #tpu.memory_space<vmem>>) target_semaphore(%arg12 : memref<!tpu.dma_semaphore, #tpu.memory_space<semaphore_mem>>)
    %add3A_10 = arith.constant 512 : i32
    %add3A_11 = arith.addi %mul3A_2, %add3A_10 : i32
    %dma_start3A_12 = tpu.memref_slice %arg2[%add3A_11] : memref<819200xi32, #tpu.memory_space<hbm>> -> memref<256xi32, #tpu.memory_space<hbm>>
    %dma_start3A_13 = tpu.memref_slice %arg2[%add3A_11] : memref<819200xi32, #tpu.memory_space<hbm>> -> memref<256xi32, #tpu.memory_space<hbm>>
    tpu.enqueue_dma source(%dma_start3A_13 : memref<256xi32, #tpu.memory_space<hbm>>) target(%arg7 : memref<256xi32, #tpu.memory_space<vmem>>) target_semaphore(%arg13 : memref<!tpu.dma_semaphore, #tpu.memory_space<semaphore_mem>>)
    %add3A_14 = arith.constant 768 : i32
    %add3A_15 = arith.addi %mul3A_2, %add3A_14 : i32
    %dma_start3A_16 = tpu.memref_slice %arg2[%add3A_15] : memref<819200xi32, #tpu.memory_space<hbm>> -> memref<256xi32, #tpu.memory_space<hbm>>
    %dma_start3A_17 = tpu.memref_slice %arg2[%add3A_15] : memref<819200xi32, #tpu.memory_space<hbm>> -> memref<256xi32, #tpu.memory_space<hbm>>
    tpu.enqueue_dma source(%dma_start3A_17 : memref<256xi32, #tpu.memory_space<hbm>>) target(%arg8 : memref<256xi32, #tpu.memory_space<vmem>>) target_semaphore(%arg14 : memref<!tpu.dma_semaphore, #tpu.memory_space<semaphore_mem>>)
    %dma_wait3A = arith.constant 0 : i32
    %dma_wait3A_18 = tpu.memref_slice %arg2[%dma_wait3A] : memref<819200xi32, #tpu.memory_space<hbm>> -> memref<256xi32, #tpu.memory_space<hbm>>
    %dma_wait3A_19 = arith.constant 0 : i32
    %dma_wait3A_20 = tpu.memref_slice %arg2[%dma_wait3A_19] : memref<819200xi32, #tpu.memory_space<hbm>> -> memref<256xi32, #tpu.memory_space<hbm>>
    tpu.wait_dma2 semaphore(%arg11 : memref<!tpu.dma_semaphore, #tpu.memory_space<semaphore_mem>>) src(%dma_wait3A_20 : memref<256xi32, #tpu.memory_space<hbm>>) dst(%arg5 : memref<256xi32, #tpu.memory_space<vmem>>)
    %dma_start3A_21 = arith.constant 0 : i32
    %dma_start3A_22 = arith.constant 0 : i32
    %dma_start3A_23 = tpu.memref_slice %arg9[%dma_start3A_21, %dma_start3A_22] : memref<256x128xf32, #tpu.memory_space<vmem>> -> memref<128x128xf32, #tpu.memory_space<vmem>>
    %dma_start3A_24 = arith.constant 0 : i32
    %dma_start3A_25 = tpu.memref_slice %arg5[%dma_start3A_24] : memref<256xi32, #tpu.memory_space<vmem>> -> memref<128xi32, #tpu.memory_space<vmem>>
    %dma_start3A_26 = arith.constant 0 : i32
    %dma_start3A_27 = arith.constant 0 : i32
    %dma_start3A_28 = tpu.memref_slice %arg3[%dma_start3A_26, %dma_start3A_27] : memref<1000000x128xf32, #tpu.memory_space<hbm>> -> memref<1000000x128xf32, #tpu.memory_space<hbm>>
    tpu.enqueue_indirect_dma source(%dma_start3A_28 : memref<1000000x128xf32, #tpu.memory_space<hbm>>) target(%dma_start3A_23 : memref<128x128xf32, #tpu.memory_space<vmem>>) offsets(%dma_start3A_25 : memref<128xi32, #tpu.memory_space<vmem>>) semaphore(%arg15 : memref<!tpu.dma_semaphore, #tpu.memory_space<semaphore_mem>>)
    %dma_start3A_29 = arith.constant 128 : i32
    %dma_start3A_30 = arith.constant 0 : i32
    %dma_start3A_31 = tpu.memref_slice %arg9[%dma_start3A_29, %dma_start3A_30] : memref<256x128xf32, #tpu.memory_space<vmem>> -> memref<128x128xf32, #tpu.memory_space<vmem>>
    %dma_start3A_32 = arith.constant 128 : i32
    %dma_start3A_33 = tpu.memref_slice %arg5[%dma_start3A_32] : memref<256xi32, #tpu.memory_space<vmem>> -> memref<128xi32, #tpu.memory_space<vmem>>
    %dma_start3A_34 = arith.constant 0 : i32
    %dma_start3A_35 = arith.constant 0 : i32
    %dma_start3A_36 = tpu.memref_slice %arg3[%dma_start3A_34, %dma_start3A_35] : memref<1000000x128xf32, #tpu.memory_space<hbm>> -> memref<1000000x128xf32, #tpu.memory_space<hbm>>
    tpu.enqueue_indirect_dma source(%dma_start3A_36 : memref<1000000x128xf32, #tpu.memory_space<hbm>>) target(%dma_start3A_31 : memref<128x128xf32, #tpu.memory_space<vmem>>) offsets(%dma_start3A_33 : memref<128xi32, #tpu.memory_space<vmem>>) semaphore(%arg15 : memref<!tpu.dma_semaphore, #tpu.memory_space<semaphore_mem>>)
    %dma_wait3A_37 = arith.constant 0 : i32
    %dma_wait3A_38 = tpu.memref_slice %arg2[%dma_wait3A_37] : memref<819200xi32, #tpu.memory_space<hbm>> -> memref<256xi32, #tpu.memory_space<hbm>>
    %dma_wait3A_39 = arith.constant 0 : i32
    %dma_wait3A_40 = tpu.memref_slice %arg2[%dma_wait3A_39] : memref<819200xi32, #tpu.memory_space<hbm>> -> memref<256xi32, #tpu.memory_space<hbm>>
    tpu.wait_dma2 semaphore(%arg12 : memref<!tpu.dma_semaphore, #tpu.memory_space<semaphore_mem>>) src(%dma_wait3A_40 : memref<256xi32, #tpu.memory_space<hbm>>) dst(%arg6 : memref<256xi32, #tpu.memory_space<vmem>>)
    %dma_start3A_41 = arith.constant 0 : i32
    %dma_start3A_42 = arith.constant 0 : i32
    %dma_start3A_43 = tpu.memref_slice %arg10[%dma_start3A_41, %dma_start3A_42] : memref<256x128xf32, #tpu.memory_space<vmem>> -> memref<128x128xf32, #tpu.memory_space<vmem>>
    %dma_start3A_44 = arith.constant 0 : i32
    %dma_start3A_45 = tpu.memref_slice %arg6[%dma_start3A_44] : memref<256xi32, #tpu.memory_space<vmem>> -> memref<128xi32, #tpu.memory_space<vmem>>
    %dma_start3A_46 = arith.constant 0 : i32
    %dma_start3A_47 = arith.constant 0 : i32
    %dma_start3A_48 = tpu.memref_slice %arg3[%dma_start3A_46, %dma_start3A_47] : memref<1000000x128xf32, #tpu.memory_space<hbm>> -> memref<1000000x128xf32, #tpu.memory_space<hbm>>
    tpu.enqueue_indirect_dma source(%dma_start3A_48 : memref<1000000x128xf32, #tpu.memory_space<hbm>>) target(%dma_start3A_43 : memref<128x128xf32, #tpu.memory_space<vmem>>) offsets(%dma_start3A_45 : memref<128xi32, #tpu.memory_space<vmem>>) semaphore(%arg16 : memref<!tpu.dma_semaphore, #tpu.memory_space<semaphore_mem>>)
    %dma_start3A_49 = arith.constant 128 : i32
    %dma_start3A_50 = arith.constant 0 : i32
    %dma_start3A_51 = tpu.memref_slice %arg10[%dma_start3A_49, %dma_start3A_50] : memref<256x128xf32, #tpu.memory_space<vmem>> -> memref<128x128xf32, #tpu.memory_space<vmem>>
    %dma_start3A_52 = arith.constant 128 : i32
    %dma_start3A_53 = tpu.memref_slice %arg6[%dma_start3A_52] : memref<256xi32, #tpu.memory_space<vmem>> -> memref<128xi32, #tpu.memory_space<vmem>>
    %dma_start3A_54 = arith.constant 0 : i32
    %dma_start3A_55 = arith.constant 0 : i32
    %dma_start3A_56 = tpu.memref_slice %arg3[%dma_start3A_54, %dma_start3A_55] : memref<1000000x128xf32, #tpu.memory_space<hbm>> -> memref<1000000x128xf32, #tpu.memory_space<hbm>>
    tpu.enqueue_indirect_dma source(%dma_start3A_56 : memref<1000000x128xf32, #tpu.memory_space<hbm>>) target(%dma_start3A_51 : memref<128x128xf32, #tpu.memory_space<vmem>>) offsets(%dma_start3A_53 : memref<128xi32, #tpu.memory_space<vmem>>) semaphore(%arg16 : memref<!tpu.dma_semaphore, #tpu.memory_space<semaphore_mem>>)
    %dma_wait3A_57 = arith.constant 0 : i32
    %dma_wait3A_58 = arith.constant 0 : i32
    %dma_wait3A_59 = tpu.memref_slice %arg4[%dma_wait3A_57, %dma_wait3A_58] : memref<819200x128xf32, #tpu.memory_space<hbm>> -> memref<256x128xf32, #tpu.memory_space<hbm>>
    %dma_wait3A_60 = arith.constant 0 : i32
    %dma_wait3A_61 = arith.constant 0 : i32
    %dma_wait3A_62 = tpu.memref_slice %arg4[%dma_wait3A_60, %dma_wait3A_61] : memref<819200x128xf32, #tpu.memory_space<hbm>> -> memref<256x128xf32, #tpu.memory_space<hbm>>
    tpu.wait_dma2 semaphore(%arg15 : memref<!tpu.dma_semaphore, #tpu.memory_space<semaphore_mem>>) src(%dma_wait3A_62 : memref<256x128xf32, #tpu.memory_space<hbm>>) dst(%arg9 : memref<256x128xf32, #tpu.memory_space<vmem>>)
    %add3A_63 = arith.constant 0 : i32
    %add3A_64 = arith.addi %mul3A_2, %add3A_63 : i32
    %dma_start3A_65 = arith.constant 0 : i32
    %dma_start3A_66 = tpu.memref_slice %arg4[%add3A_64, %dma_start3A_65] : memref<819200x128xf32, #tpu.memory_space<hbm>> -> memref<256x128xf32, #tpu.memory_space<hbm>>
    %dma_start3A_67 = arith.constant 0 : i32
    %dma_start3A_68 = tpu.memref_slice %arg4[%add3A_64, %dma_start3A_67] : memref<819200x128xf32, #tpu.memory_space<hbm>> -> memref<256x128xf32, #tpu.memory_space<hbm>>
    tpu.enqueue_dma source(%arg9 : memref<256x128xf32, #tpu.memory_space<vmem>>) target(%dma_start3A_68 : memref<256x128xf32, #tpu.memory_space<hbm>>) target_semaphore(%arg17 : memref<!tpu.dma_semaphore, #tpu.memory_space<semaphore_mem>>)
    %add3A_69 = arith.constant 1024 : i32
    %add3A_70 = arith.addi %mul3A_2, %add3A_69 : i32
    %dma_start3A_71 = tpu.memref_slice %arg2[%add3A_70] : memref<819200xi32, #tpu.memory_space<hbm>> -> memref<256xi32, #tpu.memory_space<hbm>>
    %dma_start3A_72 = tpu.memref_slice %arg2[%add3A_70] : memref<819200xi32, #tpu.memory_space<hbm>> -> memref<256xi32, #tpu.memory_space<hbm>>
    tpu.enqueue_dma source(%dma_start3A_72 : memref<256xi32, #tpu.memory_space<hbm>>) target(%arg5 : memref<256xi32, #tpu.memory_space<vmem>>) target_semaphore(%arg11 : memref<!tpu.dma_semaphore, #tpu.memory_space<semaphore_mem>>)
    %dma_wait3A_73 = arith.constant 0 : i32
    %dma_wait3A_74 = arith.constant 0 : i32
    %dma_wait3A_75 = tpu.memref_slice %arg4[%dma_wait3A_73, %dma_wait3A_74] : memref<819200x128xf32, #tpu.memory_space<hbm>> -> memref<256x128xf32, #tpu.memory_space<hbm>>
    %dma_wait3A_76 = arith.constant 0 : i32
    %dma_wait3A_77 = arith.constant 0 : i32
    %dma_wait3A_78 = tpu.memref_slice %arg4[%dma_wait3A_76, %dma_wait3A_77] : memref<819200x128xf32, #tpu.memory_space<hbm>> -> memref<256x128xf32, #tpu.memory_space<hbm>>
    tpu.wait_dma2 semaphore(%arg17 : memref<!tpu.dma_semaphore, #tpu.memory_space<semaphore_mem>>) src(%dma_wait3A_78 : memref<256x128xf32, #tpu.memory_space<hbm>>) dst(%arg9 : memref<256x128xf32, #tpu.memory_space<vmem>>)
    %dma_wait3A_79 = arith.constant 0 : i32
    %dma_wait3A_80 = tpu.memref_slice %arg2[%dma_wait3A_79] : memref<819200xi32, #tpu.memory_space<hbm>> -> memref<256xi32, #tpu.memory_space<hbm>>
    %dma_wait3A_81 = arith.constant 0 : i32
    %dma_wait3A_82 = tpu.memref_slice %arg2[%dma_wait3A_81] : memref<819200xi32, #tpu.memory_space<hbm>> -> memref<256xi32, #tpu.memory_space<hbm>>
    tpu.wait_dma2 semaphore(%arg13 : memref<!tpu.dma_semaphore, #tpu.memory_space<semaphore_mem>>) src(%dma_wait3A_82 : memref<256xi32, #tpu.memory_space<hbm>>) dst(%arg7 : memref<256xi32, #tpu.memory_space<vmem>>)
    %dma_start3A_83 = arith.constant 0 : i32
    %dma_start3A_84 = arith.constant 0 : i32
    %dma_start3A_85 = tpu.memref_slice %arg9[%dma_start3A_83, %dma_start3A_84] : memref<256x128xf32, #tpu.memory_space<vmem>> -> memref<128x128xf32, #tpu.memory_space<vmem>>
    %dma_start3A_86 = arith.constant 0 : i32
    %dma_start3A_87 = tpu.memref_slice %arg7[%dma_start3A_86] : memref<256xi32, #tpu.memory_space<vmem>> -> memref<128xi32, #tpu.memory_space<vmem>>
    %dma_start3A_88 = arith.constant 0 : i32
    %dma_start3A_89 = arith.constant 0 : i32
    %dma_start3A_90 = tpu.memref_slice %arg3[%dma_start3A_88, %dma_start3A_89] : memref<1000000x128xf32, #tpu.memory_space<hbm>> -> memref<1000000x128xf32, #tpu.memory_space<hbm>>
    tpu.enqueue_indirect_dma source(%dma_start3A_90 : memref<1000000x128xf32, #tpu.memory_space<hbm>>) target(%dma_start3A_85 : memref<128x128xf32, #tpu.memory_space<vmem>>) offsets(%dma_start3A_87 : memref<128xi32, #tpu.memory_space<vmem>>) semaphore(%arg15 : memref<!tpu.dma_semaphore, #tpu.memory_space<semaphore_mem>>)
    %dma_start3A_91 = arith.constant 128 : i32
    %dma_start3A_92 = arith.constant 0 : i32
    %dma_start3A_93 = tpu.memref_slice %arg9[%dma_start3A_91, %dma_start3A_92] : memref<256x128xf32, #tpu.memory_space<vmem>> -> memref<128x128xf32, #tpu.memory_space<vmem>>
    %dma_start3A_94 = arith.constant 128 : i32
    %dma_start3A_95 = tpu.memref_slice %arg7[%dma_start3A_94] : memref<256xi32, #tpu.memory_space<vmem>> -> memref<128xi32, #tpu.memory_space<vmem>>
    %dma_start3A_96 = arith.constant 0 : i32
    %dma_start3A_97 = arith.constant 0 : i32
    %dma_start3A_98 = tpu.memref_slice %arg3[%dma_start3A_96, %dma_start3A_97] : memref<1000000x128xf32, #tpu.memory_space<hbm>> -> memref<1000000x128xf32, #tpu.memory_space<hbm>>
    tpu.enqueue_indirect_dma source(%dma_start3A_98 : memref<1000000x128xf32, #tpu.memory_space<hbm>>) target(%dma_start3A_93 : memref<128x128xf32, #tpu.memory_space<vmem>>) offsets(%dma_start3A_95 : memref<128xi32, #tpu.memory_space<vmem>>) semaphore(%arg15 : memref<!tpu.dma_semaphore, #tpu.memory_space<semaphore_mem>>)
    %dma_wait3A_99 = arith.constant 0 : i32
    %dma_wait3A_100 = arith.constant 0 : i32
    %dma_wait3A_101 = tpu.memref_slice %arg4[%dma_wait3A_99, %dma_wait3A_100] : memref<819200x128xf32, #tpu.memory_space<hbm>> -> memref<256x128xf32, #tpu.memory_space<hbm>>
    %dma_wait3A_102 = arith.constant 0 : i32
    %dma_wait3A_103 = arith.constant 0 : i32
    %dma_wait3A_104 = tpu.memref_slice %arg4[%dma_wait3A_102, %dma_wait3A_103] : memref<819200x128xf32, #tpu.memory_space<hbm>> -> memref<256x128xf32, #tpu.memory_space<hbm>>
    tpu.wait_dma2 semaphore(%arg16 : memref<!tpu.dma_semaphore, #tpu.memory_space<semaphore_mem>>) src(%dma_wait3A_104 : memref<256x128xf32, #tpu.memory_space<hbm>>) dst(%arg10 : memref<256x128xf32, #tpu.memory_space<vmem>>)
    %add3A_105 = arith.constant 256 : i32
    %add3A_106 = arith.addi %mul3A_2, %add3A_105 : i32
    %dma_start3A_107 = arith.constant 0 : i32
    %dma_start3A_108 = tpu.memref_slice %arg4[%add3A_106, %dma_start3A_107] : memref<819200x128xf32, #tpu.memory_space<hbm>> -> memref<256x128xf32, #tpu.memory_space<hbm>>
    %dma_start3A_109 = arith.constant 0 : i32
    %dma_start3A_110 = tpu.memref_slice %arg4[%add3A_106, %dma_start3A_109] : memref<819200x128xf32, #tpu.memory_space<hbm>> -> memref<256x128xf32, #tpu.memory_space<hbm>>
    tpu.enqueue_dma source(%arg10 : memref<256x128xf32, #tpu.memory_space<vmem>>) target(%dma_start3A_110 : memref<256x128xf32, #tpu.memory_space<hbm>>) target_semaphore(%arg18 : memref<!tpu.dma_semaphore, #tpu.memory_space<semaphore_mem>>)
    %add3A_111 = arith.constant 1280 : i32
    %add3A_112 = arith.addi %mul3A_2, %add3A_111 : i32
    %dma_start3A_113 = tpu.memref_slice %arg2[%add3A_112] : memref<819200xi32, #tpu.memory_space<hbm>> -> memref<256xi32, #tpu.memory_space<hbm>>
    %dma_start3A_114 = tpu.memref_slice %arg2[%add3A_112] : memref<819200xi32, #tpu.memory_space<hbm>> -> memref<256xi32, #tpu.memory_space<hbm>>
    tpu.enqueue_dma source(%dma_start3A_114 : memref<256xi32, #tpu.memory_space<hbm>>) target(%arg6 : memref<256xi32, #tpu.memory_space<vmem>>) target_semaphore(%arg12 : memref<!tpu.dma_semaphore, #tpu.memory_space<semaphore_mem>>)
    %dma_wait3A_115 = arith.constant 0 : i32
    %dma_wait3A_116 = arith.constant 0 : i32
    %dma_wait3A_117 = tpu.memref_slice %arg4[%dma_wait3A_115, %dma_wait3A_116] : memref<819200x128xf32, #tpu.memory_space<hbm>> -> memref<256x128xf32, #tpu.memory_space<hbm>>
    %dma_wait3A_118 = arith.constant 0 : i32
    %dma_wait3A_119 = arith.constant 0 : i32
    %dma_wait3A_120 = tpu.memref_slice %arg4[%dma_wait3A_118, %dma_wait3A_119] : memref<819200x128xf32, #tpu.memory_space<hbm>> -> memref<256x128xf32, #tpu.memory_space<hbm>>
    tpu.wait_dma2 semaphore(%arg18 : memref<!tpu.dma_semaphore, #tpu.memory_space<semaphore_mem>>) src(%dma_wait3A_120 : memref<256x128xf32, #tpu.memory_space<hbm>>) dst(%arg10 : memref<256x128xf32, #tpu.memory_space<vmem>>)
    %dma_wait3A_121 = arith.constant 0 : i32
    %dma_wait3A_122 = tpu.memref_slice %arg2[%dma_wait3A_121] : memref<819200xi32, #tpu.memory_space<hbm>> -> memref<256xi32, #tpu.memory_space<hbm>>
    %dma_wait3A_123 = arith.constant 0 : i32
    %dma_wait3A_124 = tpu.memref_slice %arg2[%dma_wait3A_123] : memref<819200xi32, #tpu.memory_space<hbm>> -> memref<256xi32, #tpu.memory_space<hbm>>
    tpu.wait_dma2 semaphore(%arg14 : memref<!tpu.dma_semaphore, #tpu.memory_space<semaphore_mem>>) src(%dma_wait3A_124 : memref<256xi32, #tpu.memory_space<hbm>>) dst(%arg8 : memref<256xi32, #tpu.memory_space<vmem>>)
    %dma_start3A_125 = arith.constant 0 : i32
    %dma_start3A_126 = arith.constant 0 : i32
    %dma_start3A_127 = tpu.memref_slice %arg10[%dma_start3A_125, %dma_start3A_126] : memref<256x128xf32, #tpu.memory_space<vmem>> -> memref<128x128xf32, #tpu.memory_space<vmem>>
    %dma_start3A_128 = arith.constant 0 : i32
    %dma_start3A_129 = tpu.memref_slice %arg8[%dma_start3A_128] : memref<256xi32, #tpu.memory_space<vmem>> -> memref<128xi32, #tpu.memory_space<vmem>>
    %dma_start3A_130 = arith.constant 0 : i32
    %dma_start3A_131 = arith.constant 0 : i32
    %dma_start3A_132 = tpu.memref_slice %arg3[%dma_start3A_130, %dma_start3A_131] : memref<1000000x128xf32, #tpu.memory_space<hbm>> -> memref<1000000x128xf32, #tpu.memory_space<hbm>>
    tpu.enqueue_indirect_dma source(%dma_start3A_132 : memref<1000000x128xf32, #tpu.memory_space<hbm>>) target(%dma_start3A_127 : memref<128x128xf32, #tpu.memory_space<vmem>>) offsets(%dma_start3A_129 : memref<128xi32, #tpu.memory_space<vmem>>) semaphore(%arg16 : memref<!tpu.dma_semaphore, #tpu.memory_space<semaphore_mem>>)
    %dma_start3A_133 = arith.constant 128 : i32
    %dma_start3A_134 = arith.constant 0 : i32
    %dma_start3A_135 = tpu.memref_slice %arg10[%dma_start3A_133, %dma_start3A_134] : memref<256x128xf32, #tpu.memory_space<vmem>> -> memref<128x128xf32, #tpu.memory_space<vmem>>
    %dma_start3A_136 = arith.constant 128 : i32
    %dma_start3A_137 = tpu.memref_slice %arg8[%dma_start3A_136] : memref<256xi32, #tpu.memory_space<vmem>> -> memref<128xi32, #tpu.memory_space<vmem>>
    %dma_start3A_138 = arith.constant 0 : i32
    %dma_start3A_139 = arith.constant 0 : i32
    %dma_start3A_140 = tpu.memref_slice %arg3[%dma_start3A_138, %dma_start3A_139] : memref<1000000x128xf32, #tpu.memory_space<hbm>> -> memref<1000000x128xf32, #tpu.memory_space<hbm>>
    tpu.enqueue_indirect_dma source(%dma_start3A_140 : memref<1000000x128xf32, #tpu.memory_space<hbm>>) target(%dma_start3A_135 : memref<128x128xf32, #tpu.memory_space<vmem>>) offsets(%dma_start3A_137 : memref<128xi32, #tpu.memory_space<vmem>>) semaphore(%arg16 : memref<!tpu.dma_semaphore, #tpu.memory_space<semaphore_mem>>)
    %dma_wait3A_141 = arith.constant 0 : i32
    %dma_wait3A_142 = arith.constant 0 : i32
    %dma_wait3A_143 = tpu.memref_slice %arg4[%dma_wait3A_141, %dma_wait3A_142] : memref<819200x128xf32, #tpu.memory_space<hbm>> -> memref<256x128xf32, #tpu.memory_space<hbm>>
    %dma_wait3A_144 = arith.constant 0 : i32
    %dma_wait3A_145 = arith.constant 0 : i32
    %dma_wait3A_146 = tpu.memref_slice %arg4[%dma_wait3A_144, %dma_wait3A_145] : memref<819200x128xf32, #tpu.memory_space<hbm>> -> memref<256x128xf32, #tpu.memory_space<hbm>>
    tpu.wait_dma2 semaphore(%arg15 : memref<!tpu.dma_semaphore, #tpu.memory_space<semaphore_mem>>) src(%dma_wait3A_146 : memref<256x128xf32, #tpu.memory_space<hbm>>) dst(%arg9 : memref<256x128xf32, #tpu.memory_space<vmem>>)
    %add3A_147 = arith.constant 512 : i32
    %add3A_148 = arith.addi %mul3A_2, %add3A_147 : i32
    %dma_start3A_149 = arith.constant 0 : i32
    %dma_start3A_150 = tpu.memref_slice %arg4[%add3A_148, %dma_start3A_149] : memref<819200x128xf32, #tpu.memory_space<hbm>> -> memref<256x128xf32, #tpu.memory_space<hbm>>
    %dma_start3A_151 = arith.constant 0 : i32
    %dma_start3A_152 = tpu.memref_slice %arg4[%add3A_148, %dma_start3A_151] : memref<819200x128xf32, #tpu.memory_space<hbm>> -> memref<256x128xf32, #tpu.memory_space<hbm>>
    tpu.enqueue_dma source(%arg9 : memref<256x128xf32, #tpu.memory_space<vmem>>) target(%dma_start3A_152 : memref<256x128xf32, #tpu.memory_space<hbm>>) target_semaphore(%arg17 : memref<!tpu.dma_semaphore, #tpu.memory_space<semaphore_mem>>)
    %add3A_153 = arith.constant 1536 : i32
    %add3A_154 = arith.addi %mul3A_2, %add3A_153 : i32
    %dma_start3A_155 = tpu.memref_slice %arg2[%add3A_154] : memref<819200xi32, #tpu.memory_space<hbm>> -> memref<256xi32, #tpu.memory_space<hbm>>
    %dma_start3A_156 = tpu.memref_slice %arg2[%add3A_154] : memref<819200xi32, #tpu.memory_space<hbm>> -> memref<256xi32, #tpu.memory_space<hbm>>
    tpu.enqueue_dma source(%dma_start3A_156 : memref<256xi32, #tpu.memory_space<hbm>>) target(%arg7 : memref<256xi32, #tpu.memory_space<vmem>>) target_semaphore(%arg13 : memref<!tpu.dma_semaphore, #tpu.memory_space<semaphore_mem>>)
    %scan3A = arith.constant 0 : i32
    %scan3A_157 = arith.constant 0 : i32
    %scan3A_158 = arith.constant 24 : i32
    %scan3A_159 = arith.addi %scan3A_157, %scan3A_158 : i32
    %scan3A_160 = arith.constant 1 : i32
    scf.for %scan3A_186 = %scan3A_157 to %scan3A_159 step %scan3A_160  : i32 {
      %mul3A_187 = arith.constant 4 : i32
      %mul3A_188 = arith.muli %mul3A_187, %scan3A_186 : i32
      %add3A_189 = arith.constant 4 : i32
      %add3A_190 = arith.addi %mul3A_188, %add3A_189 : i32
      %add3A_191 = arith.constant 0 : i32
      %add3A_192 = arith.addi %add3A_190, %add3A_191 : i32
      %dma_wait3A_193 = arith.constant 0 : i32
      %dma_wait3A_194 = arith.constant 0 : i32
      %dma_wait3A_195 = tpu.memref_slice %arg4[%dma_wait3A_193, %dma_wait3A_194] : memref<819200x128xf32, #tpu.memory_space<hbm>> -> memref<256x128xf32, #tpu.memory_space<hbm>>
      %dma_wait3A_196 = arith.constant 0 : i32
      %dma_wait3A_197 = arith.constant 0 : i32
      %dma_wait3A_198 = tpu.memref_slice %arg4[%dma_wait3A_196, %dma_wait3A_197] : memref<819200x128xf32, #tpu.memory_space<hbm>> -> memref<256x128xf32, #tpu.memory_space<hbm>>
      tpu.wait_dma2 semaphore(%arg17 : memref<!tpu.dma_semaphore, #tpu.memory_space<semaphore_mem>>) src(%dma_wait3A_198 : memref<256x128xf32, #tpu.memory_space<hbm>>) dst(%arg9 : memref<256x128xf32, #tpu.memory_space<vmem>>)
      %dma_wait3A_199 = arith.constant 0 : i32
      %dma_wait3A_200 = tpu.memref_slice %arg2[%dma_wait3A_199] : memref<819200xi32, #tpu.memory_space<hbm>> -> memref<256xi32, #tpu.memory_space<hbm>>
      %dma_wait3A_201 = arith.constant 0 : i32
      %dma_wait3A_202 = tpu.memref_slice %arg2[%dma_wait3A_201] : memref<819200xi32, #tpu.memory_space<hbm>> -> memref<256xi32, #tpu.memory_space<hbm>>
      tpu.wait_dma2 semaphore(%arg11 : memref<!tpu.dma_semaphore, #tpu.memory_space<semaphore_mem>>) src(%dma_wait3A_202 : memref<256xi32, #tpu.memory_space<hbm>>) dst(%arg5 : memref<256xi32, #tpu.memory_space<vmem>>)
      %dma_start3A_203 = arith.constant 0 : i32
      %dma_start3A_204 = arith.constant 0 : i32
      %dma_start3A_205 = tpu.memref_slice %arg9[%dma_start3A_203, %dma_start3A_204] : memref<256x128xf32, #tpu.memory_space<vmem>> -> memref<128x128xf32, #tpu.memory_space<vmem>>
      %dma_start3A_206 = arith.constant 0 : i32
      %dma_start3A_207 = tpu.memref_slice %arg5[%dma_start3A_206] : memref<256xi32, #tpu.memory_space<vmem>> -> memref<128xi32, #tpu.memory_space<vmem>>
      %dma_start3A_208 = arith.constant 0 : i32
      %dma_start3A_209 = arith.constant 0 : i32
      %dma_start3A_210 = tpu.memref_slice %arg3[%dma_start3A_208, %dma_start3A_209] : memref<1000000x128xf32, #tpu.memory_space<hbm>> -> memref<1000000x128xf32, #tpu.memory_space<hbm>>
      tpu.enqueue_indirect_dma source(%dma_start3A_210 : memref<1000000x128xf32, #tpu.memory_space<hbm>>) target(%dma_start3A_205 : memref<128x128xf32, #tpu.memory_space<vmem>>) offsets(%dma_start3A_207 : memref<128xi32, #tpu.memory_space<vmem>>) semaphore(%arg15 : memref<!tpu.dma_semaphore, #tpu.memory_space<semaphore_mem>>)
      %dma_start3A_211 = arith.constant 128 : i32
      %dma_start3A_212 = arith.constant 0 : i32
      %dma_start3A_213 = tpu.memref_slice %arg9[%dma_start3A_211, %dma_start3A_212] : memref<256x128xf32, #tpu.memory_space<vmem>> -> memref<128x128xf32, #tpu.memory_space<vmem>>
      %dma_start3A_214 = arith.constant 128 : i32
      %dma_start3A_215 = tpu.memref_slice %arg5[%dma_start3A_214] : memref<256xi32, #tpu.memory_space<vmem>> -> memref<128xi32, #tpu.memory_space<vmem>>
      %dma_start3A_216 = arith.constant 0 : i32
      %dma_start3A_217 = arith.constant 0 : i32
      %dma_start3A_218 = tpu.memref_slice %arg3[%dma_start3A_216, %dma_start3A_217] : memref<1000000x128xf32, #tpu.memory_space<hbm>> -> memref<1000000x128xf32, #tpu.memory_space<hbm>>
      tpu.enqueue_indirect_dma source(%dma_start3A_218 : memref<1000000x128xf32, #tpu.memory_space<hbm>>) target(%dma_start3A_213 : memref<128x128xf32, #tpu.memory_space<vmem>>) offsets(%dma_start3A_215 : memref<128xi32, #tpu.memory_space<vmem>>) semaphore(%arg15 : memref<!tpu.dma_semaphore, #tpu.memory_space<semaphore_mem>>)
      %dma_wait3A_219 = arith.constant 0 : i32
      %dma_wait3A_220 = arith.constant 0 : i32
      %dma_wait3A_221 = tpu.memref_slice %arg4[%dma_wait3A_219, %dma_wait3A_220] : memref<819200x128xf32, #tpu.memory_space<hbm>> -> memref<256x128xf32, #tpu.memory_space<hbm>>
      %dma_wait3A_222 = arith.constant 0 : i32
      %dma_wait3A_223 = arith.constant 0 : i32
      %dma_wait3A_224 = tpu.memref_slice %arg4[%dma_wait3A_222, %dma_wait3A_223] : memref<819200x128xf32, #tpu.memory_space<hbm>> -> memref<256x128xf32, #tpu.memory_space<hbm>>
      tpu.wait_dma2 semaphore(%arg16 : memref<!tpu.dma_semaphore, #tpu.memory_space<semaphore_mem>>) src(%dma_wait3A_224 : memref<256x128xf32, #tpu.memory_space<hbm>>) dst(%arg10 : memref<256x128xf32, #tpu.memory_space<vmem>>)
      %add3A_225 = arith.constant 3 : i32
      %add3A_226 = arith.addi %add3A_192, %add3A_225 : i32
      %lt3A = arith.constant 100 : i32
      %lt3A_227 = arith.cmpi slt, %add3A_226, %lt3A : i32
      %convert_element_type3A = arith.extui %lt3A_227 : i1 to i32
      %cond3A = arith.constant 0 : i32
      %cond3A_228 = arith.cmpi ne, %convert_element_type3A, %cond3A : i32
      scf.if %cond3A_228 {
        %add3A_399 = arith.constant 3 : i32
        %add3A_400 = arith.addi %add3A_192, %add3A_399 : i32
        %mul3A_401 = arith.constant 256 : i32
        %mul3A_402 = arith.muli %add3A_400, %mul3A_401 : i32
        %add3A_403 = arith.addi %mul3A_2, %mul3A_402 : i32
        %dma_start3A_404 = tpu.memref_slice %arg2[%add3A_403] : memref<819200xi32, #tpu.memory_space<hbm>> -> memref<256xi32, #tpu.memory_space<hbm>>
        %dma_start3A_405 = tpu.memref_slice %arg2[%add3A_403] : memref<819200xi32, #tpu.memory_space<hbm>> -> memref<256xi32, #tpu.memory_space<hbm>>
        tpu.enqueue_dma source(%dma_start3A_405 : memref<256xi32, #tpu.memory_space<hbm>>) target(%arg8 : memref<256xi32, #tpu.memory_space<vmem>>) target_semaphore(%arg14 : memref<!tpu.dma_semaphore, #tpu.memory_space<semaphore_mem>>)
      } else {
      }
      %sub3A = arith.constant 1 : i32
      %sub3A_229 = arith.subi %add3A_192, %sub3A : i32
      %mul3A_230 = arith.constant 256 : i32
      %mul3A_231 = arith.muli %sub3A_229, %mul3A_230 : i32
      %add3A_232 = arith.addi %mul3A_2, %mul3A_231 : i32
      %dma_start3A_233 = arith.constant 0 : i32
      %dma_start3A_234 = tpu.memref_slice %arg4[%add3A_232, %dma_start3A_233] : memref<819200x128xf32, #tpu.memory_space<hbm>> -> memref<256x128xf32, #tpu.memory_space<hbm>>
      %dma_start3A_235 = arith.constant 0 : i32
      %dma_start3A_236 = tpu.memref_slice %arg4[%add3A_232, %dma_start3A_235] : memref<819200x128xf32, #tpu.memory_space<hbm>> -> memref<256x128xf32, #tpu.memory_space<hbm>>
      tpu.enqueue_dma source(%arg10 : memref<256x128xf32, #tpu.memory_space<vmem>>) target(%dma_start3A_236 : memref<256x128xf32, #tpu.memory_space<hbm>>) target_semaphore(%arg18 : memref<!tpu.dma_semaphore, #tpu.memory_space<semaphore_mem>>)
      %mul3A_237 = arith.constant 4 : i32
      %mul3A_238 = arith.muli %mul3A_237, %scan3A_186 : i32
      %add3A_239 = arith.constant 4 : i32
      %add3A_240 = arith.addi %mul3A_238, %add3A_239 : i32
      %add3A_241 = arith.constant 1 : i32
      %add3A_242 = arith.addi %add3A_240, %add3A_241 : i32
      %dma_wait3A_243 = arith.constant 0 : i32
      %dma_wait3A_244 = arith.constant 0 : i32
      %dma_wait3A_245 = tpu.memref_slice %arg4[%dma_wait3A_243, %dma_wait3A_244] : memref<819200x128xf32, #tpu.memory_space<hbm>> -> memref<256x128xf32, #tpu.memory_space<hbm>>
      %dma_wait3A_246 = arith.constant 0 : i32
      %dma_wait3A_247 = arith.constant 0 : i32
      %dma_wait3A_248 = tpu.memref_slice %arg4[%dma_wait3A_246, %dma_wait3A_247] : memref<819200x128xf32, #tpu.memory_space<hbm>> -> memref<256x128xf32, #tpu.memory_space<hbm>>
      tpu.wait_dma2 semaphore(%arg18 : memref<!tpu.dma_semaphore, #tpu.memory_space<semaphore_mem>>) src(%dma_wait3A_248 : memref<256x128xf32, #tpu.memory_space<hbm>>) dst(%arg10 : memref<256x128xf32, #tpu.memory_space<vmem>>)
      %dma_wait3A_249 = arith.constant 0 : i32
      %dma_wait3A_250 = tpu.memref_slice %arg2[%dma_wait3A_249] : memref<819200xi32, #tpu.memory_space<hbm>> -> memref<256xi32, #tpu.memory_space<hbm>>
      %dma_wait3A_251 = arith.constant 0 : i32
      %dma_wait3A_252 = tpu.memref_slice %arg2[%dma_wait3A_251] : memref<819200xi32, #tpu.memory_space<hbm>> -> memref<256xi32, #tpu.memory_space<hbm>>
      tpu.wait_dma2 semaphore(%arg12 : memref<!tpu.dma_semaphore, #tpu.memory_space<semaphore_mem>>) src(%dma_wait3A_252 : memref<256xi32, #tpu.memory_space<hbm>>) dst(%arg6 : memref<256xi32, #tpu.memory_space<vmem>>)
      %dma_start3A_253 = arith.constant 0 : i32
      %dma_start3A_254 = arith.constant 0 : i32
      %dma_start3A_255 = tpu.memref_slice %arg10[%dma_start3A_253, %dma_start3A_254] : memref<256x128xf32, #tpu.memory_space<vmem>> -> memref<128x128xf32, #tpu.memory_space<vmem>>
      %dma_start3A_256 = arith.constant 0 : i32
      %dma_start3A_257 = tpu.memref_slice %arg6[%dma_start3A_256] : memref<256xi32, #tpu.memory_space<vmem>> -> memref<128xi32, #tpu.memory_space<vmem>>
      %dma_start3A_258 = arith.constant 0 : i32
      %dma_start3A_259 = arith.constant 0 : i32
      %dma_start3A_260 = tpu.memref_slice %arg3[%dma_start3A_258, %dma_start3A_259] : memref<1000000x128xf32, #tpu.memory_space<hbm>> -> memref<1000000x128xf32, #tpu.memory_space<hbm>>
      tpu.enqueue_indirect_dma source(%dma_start3A_260 : memref<1000000x128xf32, #tpu.memory_space<hbm>>) target(%dma_start3A_255 : memref<128x128xf32, #tpu.memory_space<vmem>>) offsets(%dma_start3A_257 : memref<128xi32, #tpu.memory_space<vmem>>) semaphore(%arg16 : memref<!tpu.dma_semaphore, #tpu.memory_space<semaphore_mem>>)
      %dma_start3A_261 = arith.constant 128 : i32
      %dma_start3A_262 = arith.constant 0 : i32
      %dma_start3A_263 = tpu.memref_slice %arg10[%dma_start3A_261, %dma_start3A_262] : memref<256x128xf32, #tpu.memory_space<vmem>> -> memref<128x128xf32, #tpu.memory_space<vmem>>
      %dma_start3A_264 = arith.constant 128 : i32
      %dma_start3A_265 = tpu.memref_slice %arg6[%dma_start3A_264] : memref<256xi32, #tpu.memory_space<vmem>> -> memref<128xi32, #tpu.memory_space<vmem>>
      %dma_start3A_266 = arith.constant 0 : i32
      %dma_start3A_267 = arith.constant 0 : i32
      %dma_start3A_268 = tpu.memref_slice %arg3[%dma_start3A_266, %dma_start3A_267] : memref<1000000x128xf32, #tpu.memory_space<hbm>> -> memref<1000000x128xf32, #tpu.memory_space<hbm>>
      tpu.enqueue_indirect_dma source(%dma_start3A_268 : memref<1000000x128xf32, #tpu.memory_space<hbm>>) target(%dma_start3A_263 : memref<128x128xf32, #tpu.memory_space<vmem>>) offsets(%dma_start3A_265 : memref<128xi32, #tpu.memory_space<vmem>>) semaphore(%arg16 : memref<!tpu.dma_semaphore, #tpu.memory_space<semaphore_mem>>)
      %dma_wait3A_269 = arith.constant 0 : i32
      %dma_wait3A_270 = arith.constant 0 : i32
      %dma_wait3A_271 = tpu.memref_slice %arg4[%dma_wait3A_269, %dma_wait3A_270] : memref<819200x128xf32, #tpu.memory_space<hbm>> -> memref<256x128xf32, #tpu.memory_space<hbm>>
      %dma_wait3A_272 = arith.constant 0 : i32
      %dma_wait3A_273 = arith.constant 0 : i32
      %dma_wait3A_274 = tpu.memref_slice %arg4[%dma_wait3A_272, %dma_wait3A_273] : memref<819200x128xf32, #tpu.memory_space<hbm>> -> memref<256x128xf32, #tpu.memory_space<hbm>>
      tpu.wait_dma2 semaphore(%arg15 : memref<!tpu.dma_semaphore, #tpu.memory_space<semaphore_mem>>) src(%dma_wait3A_274 : memref<256x128xf32, #tpu.memory_space<hbm>>) dst(%arg9 : memref<256x128xf32, #tpu.memory_space<vmem>>)
      %add3A_275 = arith.constant 3 : i32
      %add3A_276 = arith.addi %add3A_242, %add3A_275 : i32
      %lt3A_277 = arith.constant 100 : i32
      %lt3A_278 = arith.cmpi slt, %add3A_276, %lt3A_277 : i32
      %convert_element_type3A_279 = arith.extui %lt3A_278 : i1 to i32
      %cond3A_280 = arith.constant 0 : i32
      %cond3A_281 = arith.cmpi ne, %convert_element_type3A_279, %cond3A_280 : i32
      scf.if %cond3A_281 {
        %add3A_399 = arith.constant 3 : i32
        %add3A_400 = arith.addi %add3A_242, %add3A_399 : i32
        %mul3A_401 = arith.constant 256 : i32
        %mul3A_402 = arith.muli %add3A_400, %mul3A_401 : i32
        %add3A_403 = arith.addi %mul3A_2, %mul3A_402 : i32
        %dma_start3A_404 = tpu.memref_slice %arg2[%add3A_403] : memref<819200xi32, #tpu.memory_space<hbm>> -> memref<256xi32, #tpu.memory_space<hbm>>
        %dma_start3A_405 = tpu.memref_slice %arg2[%add3A_403] : memref<819200xi32, #tpu.memory_space<hbm>> -> memref<256xi32, #tpu.memory_space<hbm>>
        tpu.enqueue_dma source(%dma_start3A_405 : memref<256xi32, #tpu.memory_space<hbm>>) target(%arg5 : memref<256xi32, #tpu.memory_space<vmem>>) target_semaphore(%arg11 : memref<!tpu.dma_semaphore, #tpu.memory_space<semaphore_mem>>)
      } else {
      }
      %sub3A_282 = arith.constant 1 : i32
      %sub3A_283 = arith.subi %add3A_242, %sub3A_282 : i32
      %mul3A_284 = arith.constant 256 : i32
      %mul3A_285 = arith.muli %sub3A_283, %mul3A_284 : i32
      %add3A_286 = arith.addi %mul3A_2, %mul3A_285 : i32
      %dma_start3A_287 = arith.constant 0 : i32
      %dma_start3A_288 = tpu.memref_slice %arg4[%add3A_286, %dma_start3A_287] : memref<819200x128xf32, #tpu.memory_space<hbm>> -> memref<256x128xf32, #tpu.memory_space<hbm>>
      %dma_start3A_289 = arith.constant 0 : i32
      %dma_start3A_290 = tpu.memref_slice %arg4[%add3A_286, %dma_start3A_289] : memref<819200x128xf32, #tpu.memory_space<hbm>> -> memref<256x128xf32, #tpu.memory_space<hbm>>
      tpu.enqueue_dma source(%arg9 : memref<256x128xf32, #tpu.memory_space<vmem>>) target(%dma_start3A_290 : memref<256x128xf32, #tpu.memory_space<hbm>>) target_semaphore(%arg17 : memref<!tpu.dma_semaphore, #tpu.memory_space<semaphore_mem>>)
      %mul3A_291 = arith.constant 4 : i32
      %mul3A_292 = arith.muli %mul3A_291, %scan3A_186 : i32
      %add3A_293 = arith.constant 4 : i32
      %add3A_294 = arith.addi %mul3A_292, %add3A_293 : i32
      %add3A_295 = arith.constant 2 : i32
      %add3A_296 = arith.addi %add3A_294, %add3A_295 : i32
      %dma_wait3A_297 = arith.constant 0 : i32
      %dma_wait3A_298 = arith.constant 0 : i32
      %dma_wait3A_299 = tpu.memref_slice %arg4[%dma_wait3A_297, %dma_wait3A_298] : memref<819200x128xf32, #tpu.memory_space<hbm>> -> memref<256x128xf32, #tpu.memory_space<hbm>>
      %dma_wait3A_300 = arith.constant 0 : i32
      %dma_wait3A_301 = arith.constant 0 : i32
      %dma_wait3A_302 = tpu.memref_slice %arg4[%dma_wait3A_300, %dma_wait3A_301] : memref<819200x128xf32, #tpu.memory_space<hbm>> -> memref<256x128xf32, #tpu.memory_space<hbm>>
      tpu.wait_dma2 semaphore(%arg17 : memref<!tpu.dma_semaphore, #tpu.memory_space<semaphore_mem>>) src(%dma_wait3A_302 : memref<256x128xf32, #tpu.memory_space<hbm>>) dst(%arg9 : memref<256x128xf32, #tpu.memory_space<vmem>>)
      %dma_wait3A_303 = arith.constant 0 : i32
      %dma_wait3A_304 = tpu.memref_slice %arg2[%dma_wait3A_303] : memref<819200xi32, #tpu.memory_space<hbm>> -> memref<256xi32, #tpu.memory_space<hbm>>
      %dma_wait3A_305 = arith.constant 0 : i32
      %dma_wait3A_306 = tpu.memref_slice %arg2[%dma_wait3A_305] : memref<819200xi32, #tpu.memory_space<hbm>> -> memref<256xi32, #tpu.memory_space<hbm>>
      tpu.wait_dma2 semaphore(%arg13 : memref<!tpu.dma_semaphore, #tpu.memory_space<semaphore_mem>>) src(%dma_wait3A_306 : memref<256xi32, #tpu.memory_space<hbm>>) dst(%arg7 : memref<256xi32, #tpu.memory_space<vmem>>)
      %dma_start3A_307 = arith.constant 0 : i32
      %dma_start3A_308 = arith.constant 0 : i32
      %dma_start3A_309 = tpu.memref_slice %arg9[%dma_start3A_307, %dma_start3A_308] : memref<256x128xf32, #tpu.memory_space<vmem>> -> memref<128x128xf32, #tpu.memory_space<vmem>>
      %dma_start3A_310 = arith.constant 0 : i32
      %dma_start3A_311 = tpu.memref_slice %arg7[%dma_start3A_310] : memref<256xi32, #tpu.memory_space<vmem>> -> memref<128xi32, #tpu.memory_space<vmem>>
      %dma_start3A_312 = arith.constant 0 : i32
      %dma_start3A_313 = arith.constant 0 : i32
      %dma_start3A_314 = tpu.memref_slice %arg3[%dma_start3A_312, %dma_start3A_313] : memref<1000000x128xf32, #tpu.memory_space<hbm>> -> memref<1000000x128xf32, #tpu.memory_space<hbm>>
      tpu.enqueue_indirect_dma source(%dma_start3A_314 : memref<1000000x128xf32, #tpu.memory_space<hbm>>) target(%dma_start3A_309 : memref<128x128xf32, #tpu.memory_space<vmem>>) offsets(%dma_start3A_311 : memref<128xi32, #tpu.memory_space<vmem>>) semaphore(%arg15 : memref<!tpu.dma_semaphore, #tpu.memory_space<semaphore_mem>>)
      %dma_start3A_315 = arith.constant 128 : i32
      %dma_start3A_316 = arith.constant 0 : i32
      %dma_start3A_317 = tpu.memref_slice %arg9[%dma_start3A_315, %dma_start3A_316] : memref<256x128xf32, #tpu.memory_space<vmem>> -> memref<128x128xf32, #tpu.memory_space<vmem>>
      %dma_start3A_318 = arith.constant 128 : i32
      %dma_start3A_319 = tpu.memref_slice %arg7[%dma_start3A_318] : memref<256xi32, #tpu.memory_space<vmem>> -> memref<128xi32, #tpu.memory_space<vmem>>
      %dma_start3A_320 = arith.constant 0 : i32
      %dma_start3A_321 = arith.constant 0 : i32
      %dma_start3A_322 = tpu.memref_slice %arg3[%dma_start3A_320, %dma_start3A_321] : memref<1000000x128xf32, #tpu.memory_space<hbm>> -> memref<1000000x128xf32, #tpu.memory_space<hbm>>
      tpu.enqueue_indirect_dma source(%dma_start3A_322 : memref<1000000x128xf32, #tpu.memory_space<hbm>>) target(%dma_start3A_317 : memref<128x128xf32, #tpu.memory_space<vmem>>) offsets(%dma_start3A_319 : memref<128xi32, #tpu.memory_space<vmem>>) semaphore(%arg15 : memref<!tpu.dma_semaphore, #tpu.memory_space<semaphore_mem>>)
      %dma_wait3A_323 = arith.constant 0 : i32
      %dma_wait3A_324 = arith.constant 0 : i32
      %dma_wait3A_325 = tpu.memref_slice %arg4[%dma_wait3A_323, %dma_wait3A_324] : memref<819200x128xf32, #tpu.memory_space<hbm>> -> memref<256x128xf32, #tpu.memory_space<hbm>>
      %dma_wait3A_326 = arith.constant 0 : i32
      %dma_wait3A_327 = arith.constant 0 : i32
      %dma_wait3A_328 = tpu.memref_slice %arg4[%dma_wait3A_326, %dma_wait3A_327] : memref<819200x128xf32, #tpu.memory_space<hbm>> -> memref<256x128xf32, #tpu.memory_space<hbm>>
      tpu.wait_dma2 semaphore(%arg16 : memref<!tpu.dma_semaphore, #tpu.memory_space<semaphore_mem>>) src(%dma_wait3A_328 : memref<256x128xf32, #tpu.memory_space<hbm>>) dst(%arg10 : memref<256x128xf32, #tpu.memory_space<vmem>>)
      %add3A_329 = arith.constant 3 : i32
      %add3A_330 = arith.addi %add3A_296, %add3A_329 : i32
      %lt3A_331 = arith.constant 100 : i32
      %lt3A_332 = arith.cmpi slt, %add3A_330, %lt3A_331 : i32
      %convert_element_type3A_333 = arith.extui %lt3A_332 : i1 to i32
      %cond3A_334 = arith.constant 0 : i32
      %cond3A_335 = arith.cmpi ne, %convert_element_type3A_333, %cond3A_334 : i32
      scf.if %cond3A_335 {
        %add3A_399 = arith.constant 3 : i32
        %add3A_400 = arith.addi %add3A_296, %add3A_399 : i32
        %mul3A_401 = arith.constant 256 : i32
        %mul3A_402 = arith.muli %add3A_400, %mul3A_401 : i32
        %add3A_403 = arith.addi %mul3A_2, %mul3A_402 : i32
        %dma_start3A_404 = tpu.memref_slice %arg2[%add3A_403] : memref<819200xi32, #tpu.memory_space<hbm>> -> memref<256xi32, #tpu.memory_space<hbm>>
        %dma_start3A_405 = tpu.memref_slice %arg2[%add3A_403] : memref<819200xi32, #tpu.memory_space<hbm>> -> memref<256xi32, #tpu.memory_space<hbm>>
        tpu.enqueue_dma source(%dma_start3A_405 : memref<256xi32, #tpu.memory_space<hbm>>) target(%arg6 : memref<256xi32, #tpu.memory_space<vmem>>) target_semaphore(%arg12 : memref<!tpu.dma_semaphore, #tpu.memory_space<semaphore_mem>>)
      } else {
      }
      %sub3A_336 = arith.constant 1 : i32
      %sub3A_337 = arith.subi %add3A_296, %sub3A_336 : i32
      %mul3A_338 = arith.constant 256 : i32
      %mul3A_339 = arith.muli %sub3A_337, %mul3A_338 : i32
      %add3A_340 = arith.addi %mul3A_2, %mul3A_339 : i32
      %dma_start3A_341 = arith.constant 0 : i32
      %dma_start3A_342 = tpu.memref_slice %arg4[%add3A_340, %dma_start3A_341] : memref<819200x128xf32, #tpu.memory_space<hbm>> -> memref<256x128xf32, #tpu.memory_space<hbm>>
      %dma_start3A_343 = arith.constant 0 : i32
      %dma_start3A_344 = tpu.memref_slice %arg4[%add3A_340, %dma_start3A_343] : memref<819200x128xf32, #tpu.memory_space<hbm>> -> memref<256x128xf32, #tpu.memory_space<hbm>>
      tpu.enqueue_dma source(%arg10 : memref<256x128xf32, #tpu.memory_space<vmem>>) target(%dma_start3A_344 : memref<256x128xf32, #tpu.memory_space<hbm>>) target_semaphore(%arg18 : memref<!tpu.dma_semaphore, #tpu.memory_space<semaphore_mem>>)
      %mul3A_345 = arith.constant 4 : i32
      %mul3A_346 = arith.muli %mul3A_345, %scan3A_186 : i32
      %add3A_347 = arith.constant 4 : i32
      %add3A_348 = arith.addi %mul3A_346, %add3A_347 : i32
      %add3A_349 = arith.constant 3 : i32
      %add3A_350 = arith.addi %add3A_348, %add3A_349 : i32
      %dma_wait3A_351 = arith.constant 0 : i32
      %dma_wait3A_352 = arith.constant 0 : i32
      %dma_wait3A_353 = tpu.memref_slice %arg4[%dma_wait3A_351, %dma_wait3A_352] : memref<819200x128xf32, #tpu.memory_space<hbm>> -> memref<256x128xf32, #tpu.memory_space<hbm>>
      %dma_wait3A_354 = arith.constant 0 : i32
      %dma_wait3A_355 = arith.constant 0 : i32
      %dma_wait3A_356 = tpu.memref_slice %arg4[%dma_wait3A_354, %dma_wait3A_355] : memref<819200x128xf32, #tpu.memory_space<hbm>> -> memref<256x128xf32, #tpu.memory_space<hbm>>
      tpu.wait_dma2 semaphore(%arg18 : memref<!tpu.dma_semaphore, #tpu.memory_space<semaphore_mem>>) src(%dma_wait3A_356 : memref<256x128xf32, #tpu.memory_space<hbm>>) dst(%arg10 : memref<256x128xf32, #tpu.memory_space<vmem>>)
      %dma_wait3A_357 = arith.constant 0 : i32
      %dma_wait3A_358 = tpu.memref_slice %arg2[%dma_wait3A_357] : memref<819200xi32, #tpu.memory_space<hbm>> -> memref<256xi32, #tpu.memory_space<hbm>>
      %dma_wait3A_359 = arith.constant 0 : i32
      %dma_wait3A_360 = tpu.memref_slice %arg2[%dma_wait3A_359] : memref<819200xi32, #tpu.memory_space<hbm>> -> memref<256xi32, #tpu.memory_space<hbm>>
      tpu.wait_dma2 semaphore(%arg14 : memref<!tpu.dma_semaphore, #tpu.memory_space<semaphore_mem>>) src(%dma_wait3A_360 : memref<256xi32, #tpu.memory_space<hbm>>) dst(%arg8 : memref<256xi32, #tpu.memory_space<vmem>>)
      %dma_start3A_361 = arith.constant 0 : i32
      %dma_start3A_362 = arith.constant 0 : i32
      %dma_start3A_363 = tpu.memref_slice %arg10[%dma_start3A_361, %dma_start3A_362] : memref<256x128xf32, #tpu.memory_space<vmem>> -> memref<128x128xf32, #tpu.memory_space<vmem>>
      %dma_start3A_364 = arith.constant 0 : i32
      %dma_start3A_365 = tpu.memref_slice %arg8[%dma_start3A_364] : memref<256xi32, #tpu.memory_space<vmem>> -> memref<128xi32, #tpu.memory_space<vmem>>
      %dma_start3A_366 = arith.constant 0 : i32
      %dma_start3A_367 = arith.constant 0 : i32
      %dma_start3A_368 = tpu.memref_slice %arg3[%dma_start3A_366, %dma_start3A_367] : memref<1000000x128xf32, #tpu.memory_space<hbm>> -> memref<1000000x128xf32, #tpu.memory_space<hbm>>
      tpu.enqueue_indirect_dma source(%dma_start3A_368 : memref<1000000x128xf32, #tpu.memory_space<hbm>>) target(%dma_start3A_363 : memref<128x128xf32, #tpu.memory_space<vmem>>) offsets(%dma_start3A_365 : memref<128xi32, #tpu.memory_space<vmem>>) semaphore(%arg16 : memref<!tpu.dma_semaphore, #tpu.memory_space<semaphore_mem>>)
      %dma_start3A_369 = arith.constant 128 : i32
      %dma_start3A_370 = arith.constant 0 : i32
      %dma_start3A_371 = tpu.memref_slice %arg10[%dma_start3A_369, %dma_start3A_370] : memref<256x128xf32, #tpu.memory_space<vmem>> -> memref<128x128xf32, #tpu.memory_space<vmem>>
      %dma_start3A_372 = arith.constant 128 : i32
      %dma_start3A_373 = tpu.memref_slice %arg8[%dma_start3A_372] : memref<256xi32, #tpu.memory_space<vmem>> -> memref<128xi32, #tpu.memory_space<vmem>>
      %dma_start3A_374 = arith.constant 0 : i32
      %dma_start3A_375 = arith.constant 0 : i32
      %dma_start3A_376 = tpu.memref_slice %arg3[%dma_start3A_374, %dma_start3A_375] : memref<1000000x128xf32, #tpu.memory_space<hbm>> -> memref<1000000x128xf32, #tpu.memory_space<hbm>>
      tpu.enqueue_indirect_dma source(%dma_start3A_376 : memref<1000000x128xf32, #tpu.memory_space<hbm>>) target(%dma_start3A_371 : memref<128x128xf32, #tpu.memory_space<vmem>>) offsets(%dma_start3A_373 : memref<128xi32, #tpu.memory_space<vmem>>) semaphore(%arg16 : memref<!tpu.dma_semaphore, #tpu.memory_space<semaphore_mem>>)
      %dma_wait3A_377 = arith.constant 0 : i32
      %dma_wait3A_378 = arith.constant 0 : i32
      %dma_wait3A_379 = tpu.memref_slice %arg4[%dma_wait3A_377, %dma_wait3A_378] : memref<819200x128xf32, #tpu.memory_space<hbm>> -> memref<256x128xf32, #tpu.memory_space<hbm>>
      %dma_wait3A_380 = arith.constant 0 : i32
      %dma_wait3A_381 = arith.constant 0 : i32
      %dma_wait3A_382 = tpu.memref_slice %arg4[%dma_wait3A_380, %dma_wait3A_381] : memref<819200x128xf32, #tpu.memory_space<hbm>> -> memref<256x128xf32, #tpu.memory_space<hbm>>
      tpu.wait_dma2 semaphore(%arg15 : memref<!tpu.dma_semaphore, #tpu.memory_space<semaphore_mem>>) src(%dma_wait3A_382 : memref<256x128xf32, #tpu.memory_space<hbm>>) dst(%arg9 : memref<256x128xf32, #tpu.memory_space<vmem>>)
      %add3A_383 = arith.constant 3 : i32
      %add3A_384 = arith.addi %add3A_350, %add3A_383 : i32
      %lt3A_385 = arith.constant 100 : i32
      %lt3A_386 = arith.cmpi slt, %add3A_384, %lt3A_385 : i32
      %convert_element_type3A_387 = arith.extui %lt3A_386 : i1 to i32
      %cond3A_388 = arith.constant 0 : i32
      %cond3A_389 = arith.cmpi ne, %convert_element_type3A_387, %cond3A_388 : i32
      scf.if %cond3A_389 {
        %add3A_399 = arith.constant 3 : i32
        %add3A_400 = arith.addi %add3A_350, %add3A_399 : i32
        %mul3A_401 = arith.constant 256 : i32
        %mul3A_402 = arith.muli %add3A_400, %mul3A_401 : i32
        %add3A_403 = arith.addi %mul3A_2, %mul3A_402 : i32
        %dma_start3A_404 = tpu.memref_slice %arg2[%add3A_403] : memref<819200xi32, #tpu.memory_space<hbm>> -> memref<256xi32, #tpu.memory_space<hbm>>
        %dma_start3A_405 = tpu.memref_slice %arg2[%add3A_403] : memref<819200xi32, #tpu.memory_space<hbm>> -> memref<256xi32, #tpu.memory_space<hbm>>
        tpu.enqueue_dma source(%dma_start3A_405 : memref<256xi32, #tpu.memory_space<hbm>>) target(%arg7 : memref<256xi32, #tpu.memory_space<vmem>>) target_semaphore(%arg13 : memref<!tpu.dma_semaphore, #tpu.memory_space<semaphore_mem>>)
      } else {
      }
      %sub3A_390 = arith.constant 1 : i32
      %sub3A_391 = arith.subi %add3A_350, %sub3A_390 : i32
      %mul3A_392 = arith.constant 256 : i32
      %mul3A_393 = arith.muli %sub3A_391, %mul3A_392 : i32
      %add3A_394 = arith.addi %mul3A_2, %mul3A_393 : i32
      %dma_start3A_395 = arith.constant 0 : i32
      %dma_start3A_396 = tpu.memref_slice %arg4[%add3A_394, %dma_start3A_395] : memref<819200x128xf32, #tpu.memory_space<hbm>> -> memref<256x128xf32, #tpu.memory_space<hbm>>
      %dma_start3A_397 = arith.constant 0 : i32
      %dma_start3A_398 = tpu.memref_slice %arg4[%add3A_394, %dma_start3A_397] : memref<819200x128xf32, #tpu.memory_space<hbm>> -> memref<256x128xf32, #tpu.memory_space<hbm>>
      tpu.enqueue_dma source(%arg9 : memref<256x128xf32, #tpu.memory_space<vmem>>) target(%dma_start3A_398 : memref<256x128xf32, #tpu.memory_space<hbm>>) target_semaphore(%arg17 : memref<!tpu.dma_semaphore, #tpu.memory_space<semaphore_mem>>)
    }
    %scan3A_161 = arith.constant 24 : i32
    %dma_wait3A_162 = arith.constant 0 : i32
    %dma_wait3A_163 = arith.constant 0 : i32
    %dma_wait3A_164 = tpu.memref_slice %arg4[%dma_wait3A_162, %dma_wait3A_163] : memref<819200x128xf32, #tpu.memory_space<hbm>> -> memref<256x128xf32, #tpu.memory_space<hbm>>
    %dma_wait3A_165 = arith.constant 0 : i32
    %dma_wait3A_166 = arith.constant 0 : i32
    %dma_wait3A_167 = tpu.memref_slice %arg4[%dma_wait3A_165, %dma_wait3A_166] : memref<819200x128xf32, #tpu.memory_space<hbm>> -> memref<256x128xf32, #tpu.memory_space<hbm>>
    tpu.wait_dma2 semaphore(%arg16 : memref<!tpu.dma_semaphore, #tpu.memory_space<semaphore_mem>>) src(%dma_wait3A_167 : memref<256x128xf32, #tpu.memory_space<hbm>>) dst(%arg10 : memref<256x128xf32, #tpu.memory_space<vmem>>)
    %add3A_168 = arith.constant 25344 : i32
    %add3A_169 = arith.addi %mul3A_2, %add3A_168 : i32
    %dma_start3A_170 = arith.constant 0 : i32
    %dma_start3A_171 = tpu.memref_slice %arg4[%add3A_169, %dma_start3A_170] : memref<819200x128xf32, #tpu.memory_space<hbm>> -> memref<256x128xf32, #tpu.memory_space<hbm>>
    %dma_start3A_172 = arith.constant 0 : i32
    %dma_start3A_173 = tpu.memref_slice %arg4[%add3A_169, %dma_start3A_172] : memref<819200x128xf32, #tpu.memory_space<hbm>> -> memref<256x128xf32, #tpu.memory_space<hbm>>
    tpu.enqueue_dma source(%arg10 : memref<256x128xf32, #tpu.memory_space<vmem>>) target(%dma_start3A_173 : memref<256x128xf32, #tpu.memory_space<hbm>>) target_semaphore(%arg18 : memref<!tpu.dma_semaphore, #tpu.memory_space<semaphore_mem>>)
    %dma_wait3A_174 = arith.constant 0 : i32
    %dma_wait3A_175 = arith.constant 0 : i32
    %dma_wait3A_176 = tpu.memref_slice %arg4[%dma_wait3A_174, %dma_wait3A_175] : memref<819200x128xf32, #tpu.memory_space<hbm>> -> memref<256x128xf32, #tpu.memory_space<hbm>>
    %dma_wait3A_177 = arith.constant 0 : i32
    %dma_wait3A_178 = arith.constant 0 : i32
    %dma_wait3A_179 = tpu.memref_slice %arg4[%dma_wait3A_177, %dma_wait3A_178] : memref<819200x128xf32, #tpu.memory_space<hbm>> -> memref<256x128xf32, #tpu.memory_space<hbm>>
    tpu.wait_dma2 semaphore(%arg17 : memref<!tpu.dma_semaphore, #tpu.memory_space<semaphore_mem>>) src(%dma_wait3A_179 : memref<256x128xf32, #tpu.memory_space<hbm>>) dst(%arg9 : memref<256x128xf32, #tpu.memory_space<vmem>>)
    %dma_wait3A_180 = arith.constant 0 : i32
    %dma_wait3A_181 = arith.constant 0 : i32
    %dma_wait3A_182 = tpu.memref_slice %arg4[%dma_wait3A_180, %dma_wait3A_181] : memref<819200x128xf32, #tpu.memory_space<hbm>> -> memref<256x128xf32, #tpu.memory_space<hbm>>
    %dma_wait3A_183 = arith.constant 0 : i32
    %dma_wait3A_184 = arith.constant 0 : i32
    %dma_wait3A_185 = tpu.memref_slice %arg4[%dma_wait3A_183, %dma_wait3A_184] : memref<819200x128xf32, #tpu.memory_space<hbm>> -> memref<256x128xf32, #tpu.memory_space<hbm>>
    tpu.wait_dma2 semaphore(%arg18 : memref<!tpu.dma_semaphore, #tpu.memory_space<semaphore_mem>>) src(%dma_wait3A_185 : memref<256x128xf32, #tpu.memory_space<hbm>>) dst(%arg10 : memref<256x128xf32, #tpu.memory_space<vmem>>)
    return
  }
}

</mosaic_0001>

<sc_bundles>
// kernel: _sc_gather.3.cloned.1.call-start
scs
__scs_entry_jumppad:
0x0: {  	(pc) =	sbr.rel $0x88, $3  }
0x1: {  	(tag) =	ssettag $0x0;
	lr =	simm.s32 $0x1  }
0x2: {  	[smem:$0x3F9F] =	sst lr;
	_ =	strace $0xD0000000  }
0x3: {  	_ = 	snop  }
0x4: {  	_ = 	snop  }
0x5: {  	_ = 	snop  }
0x6: {  	_ = 	snop  }
0x7: {  	_ = 	snop  }
__scs_overlays_trampoline_lowered:
0x8: {  	[smem:$0x3FAE] =	sst s0  }
0x9: {  	[smem:$0x3FAF] =	sst s1  }
0xa: {  	[smem:$0x3FB0] =	sst s2  }
0xb: {  	[smem:$0x3FB1] =	sst s3  }
0xc: {  	[smem:$0x3FB2] =	sst s4  }
0xd: {  	[smem:$0x3FB3] =	sst s5  }
0xe: {  	[smem:$0x3FB4] =	sst s6  }
0xf: {  	[smem:$0x3FB5] =	sst s7  }
0x10: {  	[smem:$0x3FB6] =	sst s8  }
0x11: {  	[smem:$0x3FB7] =	sst s9;
	s0 =	simm.s32 @!p0 $0x0  }
0x12: {  	s1 =	sld [smem:$0x3F9D];
	s0 =	simm.s32 @p0 $0x1  }
0x13: {  	[smem:$0x3FB8] =	sst s0;
	s0 =	simm.s32 @!p1 $0x0  }
0x14: {  	s2 =	sld [smem:$0x3F9C];
	s0 =	simm.s32 @p1 $0x1  }
0x15: {  	[smem:$0x3FB9] =	sst s0;
	s0 =	simm.s32 @!p2 $0x0  }
0x16: {  	s3 =	sld [smem:$0x3FDB];
	s0 =	simm.s32 @p2 $0x1  }
0x17: {  	s4 =	simm.s32 $0x1BF5;
	[smem:$0x3FBB] =	sst s0  }
0x18: {  	s0 =	sld [smem:$0x3F9E];
	_ =	swait.ge [sflag:s4], $0x0  }
0x19: {  	s7 =	sld [smem:$0x3F9F]  }
0x1a: {  	s8 =	sadd.s32 $0xFFFFE003, lr  }
0x1b: {  	s9 =	sadd.s32 $0xFFFFFEF7, lr;
	s5 =	simm.s32 $0xFFFFFFFF;
	p2 =	slt.u32 s8, $0xFFFFF086  }
0x1c: {  	p1 =	slt.u32 s9, $0xF7A;
	s5 =	simm.s32 @!p2 $0x0  }
0x1d: {  	s5 =	simm.s32 @p1 $0x1;
	p0 =	seq.s32 s7, s2  }
0x1e: {  	s7 =	smul.u32 @!p0 $0xF7A, s2;
	p2 =	seq.s32 @!p0 s5, $0x0  }
0x1f: {  	s9 =	smul.u32 $0xF7A, s1;
	s8 =	simm.s32 @!p0 $0x1BF5;
	p2 =	por !p2, p0  }
0x20: {  	[sflag:s8] =	ssyncset.s32 @!p0 $0xFFFFF086;
	s6 =	sadd.s32 @!p0 s3, s7;
	s7 =	simm.s32 @!p0 $0x108  }
0x21: {  	s3 =	sadd.s32 s3, s9;
	s6 =	sadd.s32 @!p0 $0x88, s6;
	s7 =	simm.s32 @p2 $0x1082  }
0x22: {  	[simem:s7], [sflag:s8] =	dma.local @!p0 [hbm:s6], $0xF7A  }
0x23: {  	s9 =	sor.u32 $0xD0000000, s2;
	s6 =	simm.s32 $0x108;
	_ =	swait.ge @!p0 [sflag:s8], $0x0  }
0x24: {  	s3 =	sadd.s32 $0x88, s3;
	s6 =	simm.s32 @!p1 $0x1082;
	[sflag:s4] =	ssyncset.s32 $0xFFFFF086  }
0x25: {  	[simem:s6], [sflag:s4] =	dma.local [hbm:s3], $0xF7A  }
0x26: {  	[smem:$0x3F9F] =	sst s1;
	(tag) =	ssettag s2;
	_ =	strace s9  }
0x27: {  	s1 =	sld [smem:$0x3FAF]  }
0x28: {  	s2 =	sld [smem:$0x3FB0]  }
0x29: {  	s4 =	sld [smem:$0x3FB2]  }
0x2a: {  	p0 =	seq.s32 s5, $0x0;
	s5 =	sld [smem:$0x3FB3]  }
0x2b: {  	s6 =	sld [smem:$0x3FB4]  }
0x2c: {  	s7 =	sld [smem:$0x3FB5]  }
0x2d: {  	s3 =	simm.s32 $0x108;
	s8 =	sld [smem:$0x3FB6]  }
0x2e: {  	s3 =	simm.s32 @!p0 $0x1082;
	s9 =	sld [smem:$0x3FB7]  }
0x2f: {  	lr =	sadd.s32 s0, s3;
	s0 =	sld [smem:$0x3FAE]  }
0x30: {  	s3 =	sld [smem:$0x3FB1]  }
0x31: {  	[smem:$0x3FBA] =	sst s10  }
0x32: {  	s10 =	sld [smem:$0x3FB8];
	_ =	sdelay $0x3  }
0x33: {  	p0 =	seq.s32 s10, $0x1;
	s10 =	sld [smem:$0x3FBA];
	_ =	sdelay $0x3  }
0x34: {  	[smem:$0x3FBA] =	sst s10  }
0x35: {  	s10 =	sld [smem:$0x3FB9];
	_ =	sdelay $0x3  }
0x36: {  	p1 =	seq.s32 s10, $0x1;
	s10 =	sld [smem:$0x3FBA];
	_ =	sdelay $0x3  }
0x37: {  	[smem:$0x3FBA] =	sst s10  }
0x38: {  	s10 =	sld [smem:$0x3FBB]  }
0x39: {  	_ = 	snop;
	(pc) =	sbr.ind lr, $3  }
0x3a: {  	_ = 	snop  }
0x3b: {  	_ = 	snop  }
0x3c: {  	p2 =	seq.s32 s10, $0x1;
	s10 =	sld [smem:$0x3FBA]  }
0x3d: {  	_ =	shalt  }
0x3e: {  	_ =	shalt  }
0x3f: {  	_ =	shalt  }
0x40: {  	_ =	shalt  }
0x41: {  	_ =	shalt  }
0x42: {  	_ =	shalt  }
0x43: {  	_ =	shalt  }
0x44: {  	_ =	shalt  }
0x45: {  	_ =	shalt  }
0x46: {  	_ =	shalt  }
0x47: {  	_ =	shalt  }
0x48: {  	_ =	shalt  }
0x49: {  	_ =	shalt  }
0x4a: {  	_ =	shalt  }
0x4b: {  	_ =	shalt  }
0x4c: {  	_ =	shalt  }
0x4d: {  	_ =	shalt  }
0x4e: {  	_ =	shalt  }
0x4f: {  	_ =	shalt  }
0x50: {  	_ =	shalt  }
0x51: {  	_ =	shalt  }
0x52: {  	_ =	shalt  }
0x53: {  	_ =	shalt  }
0x54: {  	_ =	shalt  }
0x55: {  	_ =	shalt  }
0x56: {  	_ =	shalt  }
0x57: {  	_ =	shalt  }
0x58: {  	_ =	shalt  }
0x59: {  	_ =	shalt  }
0x5a: {  	_ =	shalt  }
0x5b: {  	_ =	shalt  }
0x5c: {  	_ =	shalt  }
0x5d: {  	_ =	shalt  }
0x5e: {  	_ =	shalt  }
0x5f: {  	_ =	shalt  }
0x60: {  	_ =	shalt  }
0x61: {  	_ =	shalt  }
0x62: {  	_ =	shalt  }
0x63: {  	_ =	shalt  }
0x64: {  	_ =	shalt  }
0x65: {  	_ =	shalt  }
0x66: {  	_ =	shalt  }
0x67: {  	_ =	shalt  }
0x68: {  	_ =	shalt  }
0x69: {  	_ =	shalt  }
0x6a: {  	_ =	shalt  }
0x6b: {  	_ =	shalt  }
0x6c: {  	_ =	shalt  }
0x6d: {  	_ =	shalt  }
0x6e: {  	_ =	shalt  }
0x6f: {  	_ =	shalt  }
0x70: {  	_ =	shalt  }
0x71: {  	_ =	shalt  }
0x72: {  	_ =	shalt  }
0x73: {  	_ =	shalt  }
0x74: {  	_ =	shalt  }
0x75: {  	_ =	shalt  }
0x76: {  	_ =	shalt  }
0x77: {  	_ =	shalt  }
0x78: {  	_ =	shalt  }
0x79: {  	_ =	shalt  }
0x7a: {  	_ =	shalt  }
0x7b: {  	_ =	shalt  }
0x7c: {  	_ =	shalt  }
0x7d: {  	_ =	shalt  }
0x7e: {  	_ =	shalt  }
0x7f: {  	_ =	shalt  }
0x80: {  	_ =	shalt  }
0x81: {  	_ =	shalt  }
0x82: {  	_ =	shalt  }
0x83: {  	_ =	shalt  }
0x84: {  	_ =	shalt  }
0x85: {  	_ =	shalt  }
0x86: {  	_ =	shalt  }
0x87: {  	_ =	shalt  }
.Lfunc_end0:
.L_simem_size_0:
called_computation_lowered:
.L_overlay_start_0:
0x88: {  	s2 =	sld [smem:$0x3FD9]  }
0x89: {  	s3 =	sld [smem:$0x3FFE];
	_ =	sdelay $0x1  }
0x8a: {  	s1 =	srdreg.scid  }
0x8b: {  	s0 =	sand.u32 $0x1, s1  }
0x8c: {  	s18 =	sshll.u32 s0, $0xA;
	s2 =	sadd.s32 s3, s2  }
0x8d: {  	s2 =	sadd.s32 s2, s18  }
0x8e: {  	[smem:$0x3FC6] =	sst s2  }
0x8f: {  	_ = 	snop  }
0x90: {  	s2 =	sld [smem:$0x3FC9]  }
0x91: {  	s19 =	sld [smem:$0x3FC8]  }
0x92: {  	s4 =	sld [smem:$0x3FD0];
	(tm) =	ssettm $0x1  }
0x93: {  	s5 =	sld [smem:$0x3FFB];
	_ =	sdelay $0x3  }
0x94: {  	_ =	strace s5  }
0x95: {  	s5 =	sld [smem:$0x3FFC];
	_ =	sdelay $0x3  }
0x96: {  	_ =	strace s5  }
0x97: {  	s5 =	sld [smem:$0x3FFD];
	_ =	sdelay $0x3  }
0x98: {  	_ =	strace s5  }
0x99: {  	_ =	strace $0x8FFFFFFF  }
0x9a: {  	s20 =	sld [smem:$0x3FDB];
	_ =	sdelay $0x1  }
0x9b: {  	s6 =	simm.s32 $_scs_section_size  }
0x9c: {  	s7 =	simm.s32 $_size__tile_overlayer_lowered;
	s8 =	simm.s32 $_tile_overlayer_lowered  }
0x9d: {  	s23 =	simm.s32 $0x1BFF;
	s22 =	sshll.u32 s8, $0x1;
	s5 =	sadd.s32 s6, s20  }
0x9e: {  	s9 =	simm.s32 $0x0;
	s21 =	sshll.u32 s7, $0x1;
	s7 =	sadd.s32 s22, s5  }
0x9f: {  	[timem:s9], [sflag:s23] =	dma.local [hbm:s7], s21  }
0xa0: {  	_ =	swait.ge [sflag:s23], s21  }
0xa1: {  	s6 =	ssub.s32 $0x0, s21;
	[sflag:s23] =	ssyncset.done $0x0  }
0xa2: {  	[sflag:s23] =	ssyncadd.s32 s6;
	_ =	sdelay $0x1  }
0xa3: {  	s24 =	simm.s32 $0x1B8B  }
0xa4: {  	_ =	swait.ge [sflag:s24], $0x1  }
0xa5: {  	[sflag:s24] =	ssyncset.done $0x0  }
0xa6: {  	s25 =	simm.s32 $0x1B8E;
	[sflag:s24] =	ssyncadd.s32 $0xFFFFFFFF  }
0xa7: {  	s26 =	simm.s32 $execute0_lowered;
	[smem:$0x3FD2] =	sst s25  }
0xa8: {  	s6 =	sshll.u32 s26, $0x1;
	_ =	strace $0x80000046;
	[dreg:$0x1] =	wrdreg $0xFFFFFFFF  }
0xa9: {  	s28 =	simm.s32 $_size_execute0_lowered;
	s5 =	sadd.s32 s5, s6;
	[dreg:$0x0] =	wrdreg $0x0  }
0xaa: {  	s6 =	sshll.u32 s28, $0x1;
	[dreg:$0x2] =	wrdreg s5  }
0xab: {  	[dreg:$0x3] =	wrdreg s6  }
0xac: {  	[dreg:$0x4] =	wrdreg $0xC0  }
0xad: {  	_ =	task [dreg:s9], $0x5FFFF  }
0xae: {  	[dreg:$0x1] =	wrdreg $0xFFFFFFFF  }
0xaf: {  	[dreg:$0x0] =	wrdreg $0x60  }
0xb0: {  	[dreg:$0x2] =	wrdreg s2  }
0xb1: {  	[dreg:$0x3] =	wrdreg s19  }
0xb2: {  	[dreg:$0x4] =	wrdreg s4  }
0xb3: {  	[dreg:$0x5] =	wrdreg $0x9  }
0xb4: {  	_ =	task.clear_ibuf [dreg:s9], $0x6FFFF;
	_ =	strace $0x90000046  }
0xb5: {  	s29 =	simm.s32 $0x9;
	_ =	strace $0x80000048  }
0xb6: {  	_ =	swait.ge [sflag:s29], $0x1  }
0xb7: {  	[sflag:s29] =	ssyncadd.s32 $0xFFFFFFFF  }
0xb8: {  	_ =	strace $0x90000048  }
0xb9: {  	_ =	sfence  }
0xba: {  	s30 =	sld [smem:$0x0];
	_ =	sdelay $0x2  }
0xbb: {  	s31 =	sshll.u32 s1, $0xD;
	s1 =	sshrl.u32 s1, $0x2  }
0xbc: {  	s3 =	sand.u32 $0x4000, s31;
	s1 =	sadd.s32 s1, s30  }
0xbd: {  	s0 =	sor.u32 s3, s0;
	s1 =	sshll.u32 s1, $0x11  }
0xbe: {  	s0 =	sor.u32 s1, s0  }
0xbf: {  	s0 =	sadd.s32 $0x8F2B, s0  }
0xc0: {  	[sflag:s0] =	ssyncadd.remote.s32 $0x1  }
0xc1: {  	_ =	sfence.sel $0xFFFF  }
0xc2: {  	[dreg:$0x0] =	wrdreg $0xFFFFFFFF;
	(pc) =	sbr.abs _section_cstart, $3  }
0xc3: {  	[dreg:$0x1] =	wrdreg $0xFFFFFFFF  }
0xc4: {  	_ =	task.clear_ibuf [dreg:s9], $0x2FFFF;
	_ =	strace $0x9FFFFFFF  }
0xc5: {  	(tm) =	ssettm $0x7FFFFFFF  }
tec
execute0_lowered:
.L_overlay_start_1:
0x0: {  	(tag) =	ssettag $0x1  }
0x1: {  	s0 =	rddreg [dreg:$0x0]  }
0x2: {  	s2 =	rddreg [dreg:$0x1]  }
0x3: {  	s1 =	rddreg [dreg:$0x2];
	s3 =	srdreg.scid  }
0x4: {  	s13 =	stileid.u32;
	s28 =	simm.s32 $0x2;
	s4 =	sand.u32 $0x1, s3  }
0x5: {  	s29 =	simm.s32 $0x8400;
	s5 =	sshll.u32 s13, $0x1;
	s16 =	smul.u32 $0x6400, s4  }
0x6: {  	s6 =	ssub.s32 $0x2, s4;
	s5 =	sor.u32 s4, s5;
	s4 =	smul.u32 $0x64000, s4  }
0x7: {  	s30 =	simm.s32 $0x180;
	s3 =	simm.s32 $0x0;
	s8 =	smul.u32 $0x6400, s5  }
0x8: {  	s31 =	simm.s32 $0xC400;
	[smem:$0x7FF] =	sst s3;
	s12 =	smul.u32 $0x64000, s5  }
0x9: {  	s7 =	sshrl.u32 s6, $0x1;
	_ =	strace $0x80000047;
	s5 =	smul.u32 $0x320000, s5  }
0xa: {  	s6 =	ssub.s32 s6, s7;
	s21 =	sshrl.u32 s8, $0x3;
	s9 =	sor.u32 $0x100, s8  }
0xb: {  	s8 =	sor.u32 $0x200, s8;
	s25 =	sadd.s32 s1, s12;
	s5 =	sshrl.u32 s5, $0x3  }
0xc: {  	s19 =	smax.u32 s6, $0x1;
	s6 =	simm.s32 $0x280;
	[dreg:$0x9] =	wrdreg s25  }
0xd: {  	s10 =	sshrl.u32 s9, $0x3;
	s14 =	sadd.s32 s0, s21;
	[dreg:$0x10] =	wrdreg s19  }
0xe: {  	s11 =	sshrl.u32 s8, $0x3;
	s22 =	sadd.s32 s0, s10;
	[dreg:$0x5] =	wrdreg s14  }
0xf: {  	s12 =	sshll.u32 s8, $0x4;
	s23 =	sadd.s32 s0, s11;
	[dreg:$0x6] =	wrdreg s22  }
0x10: {  	s5 =	sadd.s32 s1, s5;
	s24 =	sadd.s32 $0x60, s14;
	[dreg:$0x7] =	wrdreg s23  }
0x11: {  	s8 =	simm.s32 $0x8;
	s26 =	sadd.s32 $0x80, s14;
	[dreg:$0x8] =	wrdreg s24  }
0x12: {  	s10 =	sshll.u32 s9, $0x4;
	s15 =	sadd.s32 $0xA0, s14;
	[dreg:$0xa] =	wrdreg s26  }
0x13: {  	s11 =	smul.u32 $0xC8000, s13;
	s17 =	sadd.s32 $0xC0, s14;
	[dreg:$0xc] =	wrdreg s15  }
0x14: {  	s13 =	smul.u32 $0xC800, s13;
	s5 =	sadd.s32 $0x63000, s5;
	[dreg:$0xe] =	wrdreg s17  }
0x15: {  	s9 =	simm.s32 $0x4;
	s7 =	sadd.s32 s1, s10;
	[dreg:$0xf] =	wrdreg s5  }
0x16: {  	s5 =	simm.s32 $0x3;
	s10 =	simm.s32 $0x380;
	[dreg:$0xb] =	wrdreg s7  }
0x17: {  	s7 =	sadd.s32 s1, s12;
	s1 =	sadd.s32 s11, s1;
	s11 =	simm.s32 $0x0  }
0x18: {  	[dreg:$0xd] =	wrdreg s7;
	s7 =	sadd.s32 s16, s13;
	s1 =	sadd.s32 s4, s1  }
0x19: {  	s18 =	sadd.s32 $0xA00, s7;
	[dreg:$0x4] =	wrdreg s1;
	s21 =	sadd.s32 $0x900, s7  }
0x1a: {  	s22 =	sadd.s32 $0x800, s7;
	s24 =	sadd.s32 $0x700, s7;
	s7 =	simm.s32 $0x6  }
0x1b: {  	s20 =	sshrl.u32 s18, $0x3;
	s23 =	sshrl.u32 s22, $0x3;
	s26 =	sshrl.u32 s24, $0x3  }
0x1c: {  	s22 =	simm.s32 $0x300;
	s24 =	simm.s32 $0x80;
	s1 =	sadd.s32 s20, s0  }
0x1d: {  	s25 =	sadd.s32 s23, s0;
	s20 =	simm.s32 $0x100;
	[dreg:$0x11] =	wrdreg s1  }
0x1e: {  	s23 =	simm.s32 $0x1;
	s1 =	sshrl.u32 s21, $0x3;
	[dreg:$0x13] =	wrdreg s25  }
0x1f: {  	s21 =	simm.s32 $0x200;
	s25 =	simm.s32 $0x400;
	s1 =	sadd.s32 s1, s0  }
0x20: {  	s0 =	sadd.s32 s26, s0;
	s26 =	simm.s32 $0x4400;
	[dreg:$0x12] =	wrdreg s1  }
0x21: {  	[dreg:$0x14] =	wrdreg s0;
	s0 =	simm.s32 $0x5;
	s1 =	simm.s32 $0x7  }
.LBB2_1:
0x22: {  	s4 =	rddreg [dreg:$0x5]  }
0x23: {  	[tilespmem:s3], [sflag:$0x1] =	stream.linear.gather [hbm4b:s4+s3], $0x100, $0x38;
	[tilespmem:$0x10400] =	vst v63  }
0x24: {  	s18 =	rddreg [dreg:$0x6]  }
0x25: {  	[tilespmem:s20], [sflag:$0x2] =	stream.linear.gather [hbm4b:s18+s3], $0x100, $0x38;
	[tilespmem:$0x10400] =	vst v63  }
0x26: {  	s19 =	rddreg [dreg:$0x7]  }
0x27: {  	[tilespmem:s21], [sflag:$0x3] =	stream.linear.gather [hbm4b:s19+s3], $0x100, $0x38;
	[tilespmem:$0x10400] =	vst v63  }
0x28: {  	s12 =	rddreg [dreg:$0x8]  }
0x29: {  	[tilespmem:s22], [sflag:$0x4] =	stream.linear.gather [hbm4b:s12+s3], $0x100, $0x38;
	[tilespmem:$0x10400] =	vst v63  }
0x2a: {  	_ =	swait.ge [sflag:s23], $0x100  }
0x2b: {  	[sflag:s23] =	ssyncset.done $0x0  }
0x2c: {  	[sflag:s23] =	ssyncadd.s32 $0xFFFFFF00  }
0x2d: {  	[tilespmem:s25], [sflag:$0x5] =	stream.indirect.gather [hbm4b:s2+s24], $0x80, s3, s24, $0xb8;
	[tilespmem:$0x10400] =	vst v63  }
0x2e: {  	_ = 	snop  }
0x2f: {  	[tilespmem:s26], [sflag:$0x5] =	stream.indirect.gather [hbm4b:s2+s24], $0x80, s24, s24, $0xb8;
	[tilespmem:$0x10400] =	vst v63  }
0x30: {  	_ =	swait.ge [sflag:s28], $0x100  }
0x31: {  	[sflag:s28] =	ssyncset.done $0x0  }
0x32: {  	[sflag:s28] =	ssyncadd.s32 $0xFFFFFF00  }
0x33: {  	[tilespmem:s29], [sflag:$0x6] =	stream.indirect.gather [hbm4b:s2+s24], $0x80, s20, s24, $0xb8;
	[tilespmem:$0x10400] =	vst v63  }
0x34: {  	_ = 	snop  }
0x35: {  	[tilespmem:s31], [sflag:$0x6] =	stream.indirect.gather [hbm4b:s2+s24], $0x80, s30, s24, $0xb8;
	[tilespmem:$0x10400] =	vst v63  }
0x36: {  	_ =	swait.ge [sflag:s0], $0x8000  }
0x37: {  	[sflag:s0] =	ssyncset.done $0x0  }
0x38: {  	s13 =	rddreg [dreg:$0x9];
	[sflag:s0] =	ssyncadd.s32 $0xFFFF8000  }
0x39: {  	[hbm4b:s13+s3] =	stream.linear.scatter [tilespmem:s25], [sflag:$0x7], $0x8000, $0x38;
	[tilespmem:$0x10400] =	vst v63  }
0x3a: {  	s14 =	rddreg [dreg:$0xa]  }
0x3b: {  	[tilespmem:s3], [sflag:$0x1] =	stream.linear.gather [hbm4b:s14+s3], $0x100, $0x38;
	[tilespmem:$0x10400] =	vst v63  }
0x3c: {  	_ =	swait.ge [sflag:s1], $0x8000  }
0x3d: {  	[sflag:s1] =	ssyncset.done $0x0  }
0x3e: {  	[sflag:s1] =	ssyncadd.s32 $0xFFFF8000  }
0x3f: {  	_ =	swait.ge [sflag:s5], $0x100  }
0x40: {  	[sflag:s5] =	ssyncset.done $0x0  }
0x41: {  	[sflag:s5] =	ssyncadd.s32 $0xFFFFFF00  }
0x42: {  	[tilespmem:s25], [sflag:$0x5] =	stream.indirect.gather [hbm4b:s2+s24], $0x80, s21, s24, $0xb8;
	[tilespmem:$0x10400] =	vst v63  }
0x43: {  	_ = 	snop  }
0x44: {  	[tilespmem:s26], [sflag:$0x5] =	stream.indirect.gather [hbm4b:s2+s24], $0x80, s6, s24, $0xb8;
	[tilespmem:$0x10400] =	vst v63  }
0x45: {  	_ =	swait.ge [sflag:s7], $0x8000  }
0x46: {  	[sflag:s7] =	ssyncset.done $0x0  }
0x47: {  	s15 =	rddreg [dreg:$0xb];
	[sflag:s7] =	ssyncadd.s32 $0xFFFF8000  }
0x48: {  	[hbm4b:s15+s3] =	stream.linear.scatter [tilespmem:s29], [sflag:$0x8], $0x8000, $0x38;
	[tilespmem:$0x10400] =	vst v63  }
0x49: {  	s16 =	rddreg [dreg:$0xc]  }
0x4a: {  	[tilespmem:s20], [sflag:$0x2] =	stream.linear.gather [hbm4b:s16+s3], $0x100, $0x38;
	[tilespmem:$0x10400] =	vst v63  }
0x4b: {  	_ =	swait.ge [sflag:s8], $0x8000  }
0x4c: {  	[sflag:s8] =	ssyncset.done $0x0  }
0x4d: {  	[sflag:s8] =	ssyncadd.s32 $0xFFFF8000  }
0x4e: {  	_ =	swait.ge [sflag:s9], $0x100  }
0x4f: {  	[sflag:s9] =	ssyncset.done $0x0  }
0x50: {  	[sflag:s9] =	ssyncadd.s32 $0xFFFFFF00  }
0x51: {  	[tilespmem:s29], [sflag:$0x6] =	stream.indirect.gather [hbm4b:s2+s24], $0x80, s22, s24, $0xb8;
	[tilespmem:$0x10400] =	vst v63  }
0x52: {  	_ = 	snop  }
0x53: {  	[tilespmem:s31], [sflag:$0x6] =	stream.indirect.gather [hbm4b:s2+s24], $0x80, s10, s24, $0xb8;
	[tilespmem:$0x10400] =	vst v63  }
0x54: {  	_ =	swait.ge [sflag:s0], $0x8000  }
0x55: {  	[sflag:s0] =	ssyncset.done $0x0  }
0x56: {  	s17 =	rddreg [dreg:$0xd];
	[sflag:s0] =	ssyncadd.s32 $0xFFFF8000  }
0x57: {  	[hbm4b:s17+s3] =	stream.linear.scatter [tilespmem:s25], [sflag:$0x7], $0x8000, $0x38;
	[tilespmem:$0x10400] =	vst v63  }
0x58: {  	s18 =	rddreg [dreg:$0xe]  }
0x59: {  	[tilespmem:s21], [sflag:$0x3] =	stream.linear.gather [hbm4b:s18+s3], $0x100, $0x38;
	[tilespmem:$0x10400] =	vst v63  }
0x5a: {  	_ =	swait.ge [sflag:s1], $0x8000  }
0x5b: {  	[sflag:s1] =	ssyncset.done $0x0  }
0x5c: {  	[sflag:s1] =	ssyncadd.s32 $0xFFFF8000  }
0x5d: {  	_ =	swait.ge [sflag:s23], $0x100  }
0x5e: {  	[sflag:s23] =	ssyncset.done $0x0  }
0x5f: {  	[sflag:s23] =	ssyncadd.s32 $0xFFFFFF00  }
0x60: {  	[tilespmem:s25], [sflag:$0x5] =	stream.indirect.gather [hbm4b:s2+s24], $0x80, s3, s24, $0xb8;
	[tilespmem:$0x10400] =	vst v63  }
0x61: {  	_ = 	snop  }
0x62: {  	[tilespmem:s26], [sflag:$0x5] =	stream.indirect.gather [hbm4b:s2+s24], $0x80, s24, s24, $0xb8;
	[tilespmem:$0x10400] =	vst v63  }
0x63: {  	_ =	swait.ge [sflag:s7], $0x8000  }
0x64: {  	[sflag:s7] =	ssyncset.done $0x0;
	s12 =	rddreg [dreg:$0x4]  }
0x65: {  	s15 =	rddreg [dreg:$0x14];
	[sflag:s7] =	ssyncadd.s32 $0xFFFF8000;
	s14 =	sadd.s32 $0x0, s12  }
0x66: {  	[tilespmem:s22], [sflag:$0x4] =	stream.linear.gather [hbm4b:s15+s3], $0x100, $0x38;
	[tilespmem:$0x10400] =	vst v63  }
0x67: {  	s12 =	sadd.s32 $0x3000, s14  }
0x68: {  	[hbm4b:s12+s3] =	stream.linear.scatter [tilespmem:s29], [sflag:$0x8], $0x8000, $0x38;
	[tilespmem:$0x10400] =	vst v63  }
0x69: {  	_ =	swait.ge [sflag:s8], $0x8000  }
0x6a: {  	[sflag:s8] =	ssyncset.done $0x0  }
0x6b: {  	[sflag:s8] =	ssyncadd.s32 $0xFFFF8000  }
0x6c: {  	_ =	swait.ge [sflag:s28], $0x100  }
0x6d: {  	[sflag:s28] =	ssyncset.done $0x0  }
0x6e: {  	[sflag:s28] =	ssyncadd.s32 $0xFFFFFF00  }
0x6f: {  	[tilespmem:s29], [sflag:$0x6] =	stream.indirect.gather [hbm4b:s2+s24], $0x80, s20, s24, $0xb8;
	[tilespmem:$0x10400] =	vst v63  }
0x70: {  	_ = 	snop  }
0x71: {  	[tilespmem:s31], [sflag:$0x6] =	stream.indirect.gather [hbm4b:s2+s24], $0x80, s30, s24, $0xb8;
	[tilespmem:$0x10400] =	vst v63  }
0x72: {  	_ =	swait.ge [sflag:s0], $0x8000  }
0x73: {  	p0 =	por $0x0, $0x0;
	[sflag:s0] =	ssyncset.done $0x0  }
0x74: {  	s12 =	simm.s32 @!p0 $0x0;
	s4 =	rddreg [dreg:$0x13];
	[sflag:s0] =	ssyncadd.s32 $0xFFFF8000  }
0x75: {  	[tilespmem:s12], [sflag:$0x1] =	stream.linear.gather @!p0 [hbm4b:s4+s12], $0x100, $0x38;
	[tilespmem:$0x10400] =	vst v63  }
0x76: {  	s13 =	sadd.s32 $0x4000, s14  }
0x77: {  	[hbm4b:s13+s3] =	stream.linear.scatter [tilespmem:s25], [sflag:$0x7], $0x8000, $0x38;
	[tilespmem:$0x10400] =	vst v63  }
0x78: {  	_ =	swait.ge [sflag:s1], $0x8000  }
0x79: {  	[sflag:s1] =	ssyncset.done $0x0  }
0x7a: {  	[sflag:s1] =	ssyncadd.s32 $0xFFFF8000  }
0x7b: {  	_ =	swait.ge [sflag:s5], $0x100  }
0x7c: {  	[sflag:s5] =	ssyncset.done $0x0  }
0x7d: {  	[sflag:s5] =	ssyncadd.s32 $0xFFFFFF00  }
0x7e: {  	[tilespmem:s25], [sflag:$0x5] =	stream.indirect.gather [hbm4b:s2+s24], $0x80, s21, s24, $0xb8;
	[tilespmem:$0x10400] =	vst v63  }
0x7f: {  	_ = 	snop  }
0x80: {  	[tilespmem:s26], [sflag:$0x5] =	stream.indirect.gather [hbm4b:s2+s24], $0x80, s6, s24, $0xb8;
	[tilespmem:$0x10400] =	vst v63  }
0x81: {  	_ =	swait.ge [sflag:s7], $0x8000  }
0x82: {  	[sflag:s7] =	ssyncset.done $0x0  }
0x83: {  	s13 =	simm.s32 @!p0 $0x100;
	s17 =	rddreg [dreg:$0x12];
	[sflag:s7] =	ssyncadd.s32 $0xFFFF8000  }
0x84: {  	[tilespmem:s13], [sflag:$0x2] =	stream.linear.gather @!p0 [hbm4b:s17+s12], $0x100, $0x38;
	[tilespmem:$0x10400] =	vst v63  }
0x85: {  	s19 =	sadd.s32 $0x5000, s14  }
0x86: {  	[hbm4b:s19+s3] =	stream.linear.scatter [tilespmem:s29], [sflag:$0x8], $0x8000, $0x38;
	[tilespmem:$0x10400] =	vst v63  }
0x87: {  	_ =	swait.ge [sflag:s8], $0x8000  }
0x88: {  	[sflag:s8] =	ssyncset.done $0x0  }
0x89: {  	[sflag:s8] =	ssyncadd.s32 $0xFFFF8000  }
0x8a: {  	_ =	swait.ge [sflag:s9], $0x100  }
0x8b: {  	[sflag:s9] =	ssyncset.done $0x0  }
0x8c: {  	[sflag:s9] =	ssyncadd.s32 $0xFFFFFF00  }
0x8d: {  	[tilespmem:s29], [sflag:$0x6] =	stream.indirect.gather [hbm4b:s2+s24], $0x80, s22, s24, $0xb8;
	[tilespmem:$0x10400] =	vst v63  }
0x8e: {  	_ = 	snop  }
0x8f: {  	[tilespmem:s31], [sflag:$0x6] =	stream.indirect.gather [hbm4b:s2+s24], $0x80, s10, s24, $0xb8;
	[tilespmem:$0x10400] =	vst v63  }
0x90: {  	_ =	swait.ge [sflag:s0], $0x8000  }
0x91: {  	[sflag:s0] =	ssyncset.done $0x0  }
0x92: {  	s13 =	simm.s32 @!p0 $0x200;
	s16 =	rddreg [dreg:$0x11];
	[sflag:s0] =	ssyncadd.s32 $0xFFFF8000  }
0x93: {  	[tilespmem:s13], [sflag:$0x3] =	stream.linear.gather @!p0 [hbm4b:s16+s12], $0x100, $0x38;
	[tilespmem:$0x10400] =	vst v63  }
0x94: {  	s12 =	simm.s32 $0x4000  }
0x95: {  	s13 =	sadd.s32 $0x80, s15;
	s15 =	sadd.s32 $0x6000, s14;
	s14 =	sadd.s32 $0x80, s4  }
.LBB2_2:
0x96: {  	[hbm4b:s15+s3] =	stream.linear.scatter [tilespmem:s25], [sflag:$0x7], $0x8000, $0x38;
	[tilespmem:$0x10400] =	vst v63  }
0x97: {  	_ =	swait.ge [sflag:s1], $0x8000  }
0x98: {  	[sflag:s1] =	ssyncset.done $0x0  }
0x99: {  	[sflag:s1] =	ssyncadd.s32 $0xFFFF8000  }
0x9a: {  	_ =	swait.ge [sflag:s23], $0x100  }
0x9b: {  	[sflag:s23] =	ssyncset.done $0x0  }
0x9c: {  	[sflag:s23] =	ssyncadd.s32 $0xFFFFFF00  }
0x9d: {  	[tilespmem:s25], [sflag:$0x5] =	stream.indirect.gather [hbm4b:s2+s24], $0x80, s3, s24, $0xb8;
	[tilespmem:$0x10400] =	vst v63  }
0x9e: {  	_ = 	snop  }
0x9f: {  	[tilespmem:s26], [sflag:$0x5] =	stream.indirect.gather [hbm4b:s2+s24], $0x80, s24, s24, $0xb8;
	[tilespmem:$0x10400] =	vst v63  }
0xa0: {  	_ =	swait.ge [sflag:s7], $0x8000  }
0xa1: {  	s18 =	smov.u32 s12;
	[sflag:s7] =	ssyncset.done $0x0;
	s19 =	rddreg [dreg:$0x4]  }
0xa2: {  	[sflag:s7] =	ssyncadd.s32 $0xFFFF8000;
	s15 =	sadd.s32 s18, s19  }
0xa3: {  	[tilespmem:s22], [sflag:$0x4] =	stream.linear.gather [hbm4b:s13+s3], $0x100, $0x38;
	[tilespmem:$0x10400] =	vst v63  }
0xa4: {  	s19 =	sadd.s32 $0x3000, s15  }
0xa5: {  	[hbm4b:s19+s3] =	stream.linear.scatter [tilespmem:s29], [sflag:$0x8], $0x8000, $0x38;
	[tilespmem:$0x10400] =	vst v63  }
0xa6: {  	_ =	swait.ge [sflag:s8], $0x8000  }
0xa7: {  	[sflag:s8] =	ssyncset.done $0x0  }
0xa8: {  	[sflag:s8] =	ssyncadd.s32 $0xFFFF8000  }
0xa9: {  	_ =	swait.ge [sflag:s28], $0x100  }
0xaa: {  	[sflag:s28] =	ssyncset.done $0x0  }
0xab: {  	[sflag:s28] =	ssyncadd.s32 $0xFFFFFF00  }
0xac: {  	[tilespmem:s29], [sflag:$0x6] =	stream.indirect.gather [hbm4b:s2+s24], $0x80, s20, s24, $0xb8;
	[tilespmem:$0x10400] =	vst v63  }
0xad: {  	_ = 	snop  }
0xae: {  	[tilespmem:s31], [sflag:$0x6] =	stream.indirect.gather [hbm4b:s2+s24], $0x80, s30, s24, $0xb8;
	[tilespmem:$0x10400] =	vst v63  }
0xaf: {  	_ =	swait.ge [sflag:s0], $0x8000  }
0xb0: {  	p1 =	seq.s32 s18, $0x5C000;
	[sflag:s0] =	ssyncset.done $0x0  }
0xb1: {  	s18 =	simm.s32 @!p1 $0x0;
	[sflag:s0] =	ssyncadd.s32 $0xFFFF8000  }
0xb2: {  	[tilespmem:s18], [sflag:$0x1] =	stream.linear.gather @!p1 [hbm4b:s14+s18], $0x100, $0x38;
	[tilespmem:$0x10400] =	vst v63  }
0xb3: {  	s4 =	sadd.s32 $0x4000, s15  }
0xb4: {  	[hbm4b:s4+s3] =	stream.linear.scatter [tilespmem:s25], [sflag:$0x7], $0x8000, $0x38;
	[tilespmem:$0x10400] =	vst v63  }
0xb5: {  	_ =	swait.ge [sflag:s1], $0x8000  }
0xb6: {  	[sflag:s1] =	ssyncset.done $0x0  }
0xb7: {  	[sflag:s1] =	ssyncadd.s32 $0xFFFF8000  }
0xb8: {  	_ =	swait.ge [sflag:s5], $0x100  }
0xb9: {  	[sflag:s5] =	ssyncset.done $0x0  }
0xba: {  	[sflag:s5] =	ssyncadd.s32 $0xFFFFFF00  }
0xbb: {  	[tilespmem:s25], [sflag:$0x5] =	stream.indirect.gather [hbm4b:s2+s24], $0x80, s21, s24, $0xb8;
	[tilespmem:$0x10400] =	vst v63  }
0xbc: {  	_ = 	snop  }
0xbd: {  	[tilespmem:s26], [sflag:$0x5] =	stream.indirect.gather [hbm4b:s2+s24], $0x80, s6, s24, $0xb8;
	[tilespmem:$0x10400] =	vst v63  }
0xbe: {  	_ =	swait.ge [sflag:s7], $0x8000  }
0xbf: {  	[sflag:s7] =	ssyncset.done $0x0  }
0xc0: {  	s17 =	sadd.s32 $0x80, s17;
	s19 =	simm.s32 @!p1 $0x100;
	[sflag:s7] =	ssyncadd.s32 $0xFFFF8000  }
0xc1: {  	[tilespmem:s19], [sflag:$0x2] =	stream.linear.gather @!p1 [hbm4b:s17+s18], $0x100, $0x38;
	[tilespmem:$0x10400] =	vst v63  }
0xc2: {  	s4 =	sadd.s32 $0x5000, s15  }
0xc3: {  	[hbm4b:s4+s3] =	stream.linear.scatter [tilespmem:s29], [sflag:$0x8], $0x8000, $0x38;
	[tilespmem:$0x10400] =	vst v63  }
0xc4: {  	_ =	swait.ge [sflag:s8], $0x8000  }
0xc5: {  	[sflag:s8] =	ssyncset.done $0x0  }
0xc6: {  	[sflag:s8] =	ssyncadd.s32 $0xFFFF8000  }
0xc7: {  	_ =	swait.ge [sflag:s9], $0x100  }
0xc8: {  	[sflag:s9] =	ssyncset.done $0x0  }
0xc9: {  	s12 =	sadd.s32 $0x4000, s12;
	[sflag:s9] =	ssyncadd.s32 $0xFFFFFF00  }
0xca: {  	[tilespmem:s29], [sflag:$0x6] =	stream.indirect.gather [hbm4b:s2+s24], $0x80, s22, s24, $0xb8;
	[tilespmem:$0x10400] =	vst v63  }
0xcb: {  	p0 =	sne.s32 s12, $0x60000  }
0xcc: {  	[tilespmem:s31], [sflag:$0x6] =	stream.indirect.gather [hbm4b:s2+s24], $0x80, s10, s24, $0xb8;
	[tilespmem:$0x10400] =	vst v63  }
.Ltmp0:
0xcd: {  	_ = 	snop;
	(pc) =	sbr.rel @p0 .LBB2_2-.Ltmp0, $4  }
0xce: {  	s16 =	sadd.s32 $0x80, s16;
	_ =	swait.ge [sflag:s0], $0x8000  }
0xcf: {  	s13 =	sadd.s32 $0x80, s13;
	s14 =	sadd.s32 $0x80, s14;
	[sflag:s0] =	ssyncset.done $0x0  }
0xd0: {  	s15 =	sadd.s32 $0x6000, s15;
	s4 =	simm.s32 @!p1 $0x200;
	[sflag:s0] =	ssyncadd.s32 $0xFFFF8000  }
0xd1: {  	[tilespmem:s4], [sflag:$0x3] =	stream.linear.gather @!p1 [hbm4b:s16+s18], $0x100, $0x38;
	[tilespmem:$0x10400] =	vst v63  }
0xd2: {  	[hbm4b:s15+s3] =	stream.linear.scatter [tilespmem:s25], [sflag:$0x7], $0x8000, $0x38;
	[tilespmem:$0x10400] =	vst v63  }
0xd3: {  	_ =	swait.ge [sflag:s7], $0x8000  }
0xd4: {  	[sflag:s7] =	ssyncset.done $0x0  }
0xd5: {  	s4 =	rddreg [dreg:$0xf];
	[sflag:s7] =	ssyncadd.s32 $0xFFFF8000  }
0xd6: {  	[hbm4b:s4+s3] =	stream.linear.scatter [tilespmem:s29], [sflag:$0x8], $0x8000, $0x38;
	[tilespmem:$0x10400] =	vst v63  }
0xd7: {  	_ =	swait.ge [sflag:s1], $0x8000  }
0xd8: {  	[sflag:s1] =	ssyncset.done $0x0  }
0xd9: {  	[sflag:s1] =	ssyncadd.s32 $0xFFFF8000  }
0xda: {  	_ =	swait.ge [sflag:s8], $0x8000  }
0xdb: {  	s11 =	sadd.s32 $0x1, s11;
	s19 =	rddreg [dreg:$0x10]  }
0xdc: {  	p0 =	sne.s32 s11, s19  }
.Ltmp1:
0xdd: {  	_ = 	snop;
	(pc) =	sbr.rel @p0 .LBB2_1-.Ltmp1, $3  }
0xde: {  	_ =	sdelay $0x1  }
0xdf: {  	[sflag:s8] =	ssyncset.done $0x0  }
0xe0: {  	[sflag:s8] =	ssyncadd.s32 $0xFFFF8000  }
0xe1: {  	_ =	sfence.sel $0x180000  }
0xe2: {  	[bflag:$0x0] =	sbarrier.arrive $0xFFFF  }
0xe3: {  	_ =	strace $0x90000047  }
0xe4: {  	s0 =	stileid.u32;
	[bflag:$0x2] =	sbarrier.arrive $0xFFFF  }
0xe5: {  	p0 =	sne.s32 s0, $0x0;
	s0 =	rddreg [dreg:$0x3]  }
0xe6: {  	s0 =	sadd.s32 @!p0 $0x100000, s0  }
0xe7: {  	[sflag:s0] =	ssyncadd.tile.s32 @!p0 $0x1;
	_ =	shalt  }
.Lfunc_end2:
_tile_overlayer_lowered:
.L_overlay_start_2:
0xe8: {  	(tag) =	ssettag $0x2  }
0xe9: {  	s0 =	rddreg [dreg:$0x0];
	s2 =	stileid.u32  }
0xea: {  	s1 =	rddreg [dreg:$0x1];
	p0 =	sne.s32 s2, $0x0  }
0xeb: {  	s3 =	rddreg [dreg:$0x2];
	[bflag:$0x3] =	sbarrier.arrive $0xFFFF;
	s2 =	simm.s32 @!p0 $0x1C09  }
0xec: {  	[timem:s3], [sflag:s2] =	dma.local @!p0 [hbm:s0], s1  }
0xed: {  	s0 =	simm.s32 @!p0 $0x9  }
0xee: {  	_ =	swait.ge @!p0 [sflag:s0], s1  }
0xef: {  	s1 =	ssub.s32 @!p0 $0x0, s1;
	[sflag:s0] =	ssyncset.done @!p0 $0x0  }
0xf0: {  	[sflag:s0] =	ssyncadd.s32 @!p0 s1  }
0xf1: {  	[bflag:$0x3] =	sbarrier.arrive $0xFFFF  }
0xf2: {  	_ =	shalt  }

</sc_bundles>
